<compile_context>
chip_gen: v7x
topology: tpu7x:2x2x1
jax: 0.10.2.dev20260603
libtpu: 0.0.44.dev20260713+nightly
codegen_flags: <defaults>
</compile_context>

<pallas_src>
import functools

import jax
import jax.numpy as jnp
from jax import lax
from jax.experimental import pallas as pl
from jax.experimental.pallas import tpu as pltpu
from jax.experimental.pallas import tpu_sc as plsc

N = 200704
NG = N // 8
NC = 2
NS = 16
NW = NC * NS
B_PER_W = N // NW
CHUNK = 128
CHUNKS = B_PER_W // CHUNK
L = 16
GROUPS = CHUNK // L
OUT_ROWS = 2 * B_PER_W // 128
INTER_STRIDE = 104
BLOCKS = B_PER_W // 8
BANK = 16

_mesh = plsc.VectorSubcoreMesh(core_axis_name="c", subcore_axis_name="s")


@functools.partial(
    pl.kernel,
    mesh=_mesh,
    compiler_params=pltpu.CompilerParams(
        use_tc_tiling_on_sc=False, needs_layout_passes=False
    ),
    out_type=jax.ShapeDtypeStruct((NW * INTER_STRIDE, 128), jnp.float32),
    scratch_types=[
        pltpu.VMEM((CHUNKS, CHUNK), jnp.int32),
        pltpu.VMEM((CHUNKS, CHUNK), jnp.int32),
        pltpu.VMEM((B_PER_W, 16), jnp.float32),
        pltpu.VMEM((OUT_ROWS, 128), jnp.float32),
        pltpu.SemaphoreType.DMA,
    ],
)
def _gather_kernel(table_hbm, idx_hbm, out_hbm, idx_v, g_v, rows_v, out_v, sem):
    wid = lax.axis_index("s") * NC + lax.axis_index("c")
    pltpu.sync_copy(idx_hbm.at[pl.ds(wid * CHUNKS, CHUNKS)], idx_v)

    @pl.loop(0, CHUNKS)
    def _fire(j):
        for k in range(GROUPS):
            v = idx_v[j, pl.ds(L * k, L)]
            g_v[j, pl.ds(L * k, L)] = lax.shift_right_logical(v, 3)
        pltpu.async_copy(
            table_hbm.at[g_v.at[j]], rows_v.at[pl.ds(j * CHUNK, CHUNK)], sem
        )

    pltpu.make_async_copy(table_hbm.at[pl.ds(0, B_PER_W)], rows_v, sem).wait()

    @pl.loop(0, CHUNKS)
    def _extract(j):
        for k in range(GROUPS):
            v = idx_v[j, pl.ds(L * k, L)]
            off2 = lax.shift_left(jnp.bitwise_and(v, 7), 1)
            row = lax.iota(jnp.int32, L) + (j * CHUNK + L * k)
            x = plsc.load_gather(rows_v, [row, off2])
            y = plsc.load_gather(rows_v, [row, off2 + 1])
            px = lax.shift_left(row, 1)
            plsc.store_scatter(
                out_v, [lax.shift_right_logical(px, 7), jnp.bitwise_and(px, 127)], x
            )
            py = px + 1
            plsc.store_scatter(
                out_v, [lax.shift_right_logical(py, 7), jnp.bitwise_and(py, 127)], y
            )

    pltpu.sync_copy(out_v, out_hbm.at[pl.ds(wid * INTER_STRIDE, OUT_ROWS)])


SLAB = 64
SLABS = B_PER_W // SLAB
NBUF = 4


@functools.partial(
    pl.kernel,
    mesh=_mesh,
    compiler_params=pltpu.CompilerParams(
        use_tc_tiling_on_sc=True, needs_layout_passes=False
    ),
    out_type=jax.ShapeDtypeStruct((N, 2), jnp.float32),
    scratch_types=[
        pltpu.VMEM((INTER_STRIDE, 128), jnp.float32),
        pltpu.VMEM((NBUF, SLAB, 2), jnp.float32),
        pltpu.SemaphoreType.DMA,
    ],
)
def _store_kernel(inter_hbm, out_hbm, a_v, slab_v, sem):
    wid = lax.axis_index("s") * NC + lax.axis_index("c")
    pltpu.sync_copy(
        inter_hbm.at[
            pl.ds(pl.multiple_of(wid * INTER_STRIDE, 8), INTER_STRIDE)
        ],
        a_v,
    )
    out_base = pl.multiple_of(wid * B_PER_W, 8)

    lane = lax.iota(jnp.int32, L)

    @pl.loop(0, SLABS)
    def _slab(q):
        b = jnp.bitwise_and(q, NBUF - 1)

        @pl.when(q >= NBUF)
        def _drain():
            pltpu.make_async_copy(
                slab_v.at[b],
                out_hbm.at[
                    pl.ds(pl.multiple_of(out_base + (q - NBUF) * SLAB, 8), SLAB)
                ],
                sem,
            ).wait()

        for m in range(8):
            vals = a_v[q, pl.ds(L * m, L)]
            rws = (8 * m) + lax.shift_right_logical(lane, 1)
            cls = jnp.bitwise_and(lane, 1)
            plsc.store_scatter(slab_v.at[b], [rws, cls], vals)

        pltpu.async_copy(
            slab_v.at[b],
            out_hbm.at[pl.ds(pl.multiple_of(out_base + q * SLAB, 8), SLAB)],
            sem,
        )

    @pl.loop(SLABS - NBUF, SLABS)
    def _tail(q):
        b = jnp.bitwise_and(q, NBUF - 1)
        pltpu.make_async_copy(
            slab_v.at[b],
            out_hbm.at[pl.ds(pl.multiple_of(out_base + q * SLAB, 8), SLAB)],
            sem,
        ).wait()


def kernel(positions, perm):
    table = positions.reshape(NG, 16)
    idx = perm.astype(jnp.int32).reshape(N // CHUNK, CHUNK)
    inter = _gather_kernel(table, idx)
    return _store_kernel(inter)

# --- scband reference (transcript-rebuilt; emitter-appended) ---
"""Pipeline reference for scband-cortical-sheet-78709570667322 (READ-ONLY COPY).

The authoritative reference and input builder live on the scoring server;
editing this copy changes nothing except your own understanding.
"""

import math
import jax, jax.numpy as jnp
import numpy as np


def _init_retinotopic_positions(c, h, surface_area_mm2):
    # Vectorized but math-identical to CorticalSheet._init_retinotopic_positions.
    sheet_side = math.sqrt(surface_area_mm2)
    cell_size = sheet_side / h
    channels_per_side = int(math.ceil(math.sqrt(c)))
    channel_spacing = cell_size / (channels_per_side + 1)
    ci = jnp.arange(c)
    local_row = ci // channels_per_side
    local_col = ci % channels_per_side
    offset_x = (local_col - (channels_per_side - 1) / 2.0) * channel_spacing
    offset_y = (local_row - (channels_per_side - 1) / 2.0) * channel_spacing
    wi = jnp.arange(h)
    hi = jnp.arange(h)
    base_x = (wi + 0.5) * cell_size  # indexed by w
    base_y = (hi + 0.5) * cell_size  # indexed by h
    # unit_idx = ci*(h*h) + hi*h + wi  ->  layout (c, h, w)
    X = jnp.broadcast_to(base_x[None, None, :] + offset_x[:, None, None], (c, h, h)).reshape(-1)
    Y = jnp.broadcast_to(base_y[None, :, None] + offset_y[:, None, None], (c, h, h)).reshape(-1)
    return jnp.stack([X, Y], axis=1).astype(jnp.float32)


def setup_inputs(seed: int = 0) -> dict:
    key = jax.random.key(seed)
    c, h = 64, 56
    n = c * h * h  # 200704
    positions = _init_retinotopic_positions(c, h, 1400.0)  # buffer pos_L2, shape (n, 2)
    perm = jax.random.permutation(key, n)  # perm_L2 after shuffling; valid permutation of [0, n)
    return {"positions": positions, "perm": perm}


def reference(positions, perm):
    # CorticalSheet.get_positions("L2"): base_pos[perm]
    return jnp.take(positions, perm, axis=0)

if __name__ == "__main__":
    import jax
    _d = setup_inputs()
    print(jax.jit(kernel)(*tuple(_d.values())))

</pallas_src>

<mosaic_0001>
#map = affine_map<(d0, d1) -> (0, 0)>
module attributes {stable_mosaic.version = 14 : i64} {
  func.func @_store_kernel(%arg0: i32, %arg1: i32, %arg2: memref<3328x128xf32, #tpu.memory_space<hbm>>, %arg3: memref<200704x2xf32, #tpu.memory_space<hbm>>, %arg4: memref<104x128xf32, #tpu.memory_space<vmem>>, %arg5: memref<4x64x2xf32, #tpu.memory_space<vmem>>, %arg6: memref<!tpu.dma_semaphore, #tpu.memory_space<semaphore_mem>>) attributes {dimension_semantics = [#tpu.dimension_semantics<core_parallel>, #tpu.dimension_semantics<subcore_parallel>], iteration_bounds = array<i64: 2, 16>, scalar_prefetch = 0 : i64, scratch_operands = 3 : i64, tpu.core_type = #tpu.core_type<sc_vector_subcore>, window_params = [{transform_indices = #map}, {transform_indices = #map}]} {
    %mul3A = arith.constant 2 : i32
    %mul3A_0 = arith.muli %arg1, %mul3A : i32
    %add3A = arith.addi %mul3A_0, %arg0 : i32
    %mul3A_1 = arith.constant 104 : i32
    %mul3A_2 = arith.muli %add3A, %mul3A_1 : i32
    %multiple_of3A = tpu.assume_multiple %mul3A_2, 8 : i32
    "tpu.region"() ({
      %run_scoped3A = tpu.sem_alloc : memref<!tpu.dma_semaphore, #tpu.memory_space<semaphore_mem>>
      %dma_start3A = arith.constant 0 : i32
      %dma_start3A_15 = tpu.memref_slice %arg2[%multiple_of3A, %dma_start3A] : memref<3328x128xf32, #tpu.memory_space<hbm>> -> memref<104x128xf32, #tpu.memory_space<hbm>>
      %dma_start3A_16 = arith.constant 0 : i32
      %dma_start3A_17 = tpu.memref_slice %arg2[%multiple_of3A, %dma_start3A_16] : memref<3328x128xf32, #tpu.memory_space<hbm>> -> memref<104x128xf32, #tpu.memory_space<hbm>>
      tpu.enqueue_dma source(%dma_start3A_17 : memref<104x128xf32, #tpu.memory_space<hbm>>) target(%arg4 : memref<104x128xf32, #tpu.memory_space<vmem>>) target_semaphore(%run_scoped3A : memref<!tpu.dma_semaphore, #tpu.memory_space<semaphore_mem>>)
      %dma_wait3A = arith.constant 0 : i32
      %dma_wait3A_18 = tpu.memref_slice %arg2[%multiple_of3A, %dma_wait3A] : memref<3328x128xf32, #tpu.memory_space<hbm>> -> memref<104x128xf32, #tpu.memory_space<hbm>>
      %dma_wait3A_19 = arith.constant 0 : i32
      %dma_wait3A_20 = tpu.memref_slice %arg2[%multiple_of3A, %dma_wait3A_19] : memref<3328x128xf32, #tpu.memory_space<hbm>> -> memref<104x128xf32, #tpu.memory_space<hbm>>
      tpu.wait_dma2 semaphore(%run_scoped3A : memref<!tpu.dma_semaphore, #tpu.memory_space<semaphore_mem>>) src(%dma_wait3A_20 : memref<104x128xf32, #tpu.memory_space<hbm>>) dst(%arg4 : memref<104x128xf32, #tpu.memory_space<vmem>>)
      tpu.yield
    }) : () -> ()
    %mul3A_3 = arith.constant 6272 : i32
    %mul3A_4 = arith.muli %add3A, %mul3A_3 : i32
    %multiple_of3A_5 = tpu.assume_multiple %mul3A_4, 8 : i32
    %iota3A = tpu.iota {dimensions = array<i32: 0>} : vector<16xi32>
    %scan3A = arith.constant 0 : i32
    %scan3A_6 = arith.constant 98 : i32
    %scan3A_7 = arith.addi %scan3A, %scan3A_6 : i32
    %scan3A_8 = arith.constant 1 : i32
    scf.for %scan3A_15 = %scan3A to %scan3A_7 step %scan3A_8  : i32 {
      %mul3A_16 = arith.constant 1 : i32
      %mul3A_17 = arith.muli %scan3A_15, %mul3A_16 : i32
      %add3A_18 = arith.constant 0 : i32
      %add3A_19 = arith.addi %add3A_18, %mul3A_17 : i32
      %and3A = arith.constant 3 : i32
      %and3A_20 = arith.andi %add3A_19, %and3A : i32
      %ge3A = arith.constant 4 : i32
      %ge3A_21 = arith.cmpi sge, %add3A_19, %ge3A : i32
      %convert_element_type3A = arith.extui %ge3A_21 : i1 to i32
      %cond3A = arith.constant 0 : i32
      %cond3A_22 = arith.cmpi ne, %convert_element_type3A, %cond3A : i32
      scf.if %cond3A_22 {
        %sub3A = arith.constant 4 : i32
        %sub3A_163 = arith.subi %add3A_19, %sub3A : i32
        %mul3A_164 = arith.constant 64 : i32
        %mul3A_165 = arith.muli %sub3A_163, %mul3A_164 : i32
        %add3A_166 = arith.addi %multiple_of3A_5, %mul3A_165 : i32
        %multiple_of3A_167 = tpu.assume_multiple %add3A_166, 8 : i32
        %dma_wait3A = arith.constant 0 : i32
        %dma_wait3A_168 = arith.constant 0 : i32
        %dma_wait3A_169 = tpu.memref_slice %arg5[%and3A_20, %dma_wait3A, %dma_wait3A_168] : memref<4x64x2xf32, #tpu.memory_space<vmem>> -> memref<1x64x2xf32, #tpu.memory_space<vmem>>
        %dma_wait3A_170 = tpu.memref_squeeze %dma_wait3A_169 : memref<1x64x2xf32, #tpu.memory_space<vmem>> -> memref<64x2xf32, #tpu.memory_space<vmem>>
        %dma_wait3A_171 = arith.constant 0 : i32
        %dma_wait3A_172 = tpu.memref_slice %arg3[%multiple_of3A_167, %dma_wait3A_171] : memref<200704x2xf32, #tpu.memory_space<hbm>> -> memref<64x2xf32, #tpu.memory_space<hbm>>
        %dma_wait3A_173 = arith.constant 0 : i32
        %dma_wait3A_174 = tpu.memref_slice %arg3[%multiple_of3A_167, %dma_wait3A_173] : memref<200704x2xf32, #tpu.memory_space<hbm>> -> memref<64x2xf32, #tpu.memory_space<hbm>>
        %dma_wait3A_175 = arith.constant 0 : i32
        %dma_wait3A_176 = arith.constant 0 : i32
        %dma_wait3A_177 = tpu.memref_slice %arg5[%and3A_20, %dma_wait3A_175, %dma_wait3A_176] : memref<4x64x2xf32, #tpu.memory_space<vmem>> -> memref<1x64x2xf32, #tpu.memory_space<vmem>>
        %dma_wait3A_178 = tpu.memref_squeeze %dma_wait3A_177 : memref<1x64x2xf32, #tpu.memory_space<vmem>> -> memref<64x2xf32, #tpu.memory_space<vmem>>
        tpu.wait_dma2 semaphore(%arg6 : memref<!tpu.dma_semaphore, #tpu.memory_space<semaphore_mem>>) src(%dma_wait3A_178 : memref<64x2xf32, #tpu.memory_space<vmem>>) dst(%dma_wait3A_174 : memref<64x2xf32, #tpu.memory_space<hbm>>)
      } else {
      }
      %get3A = arith.index_cast %add3A_19 : i32 to index
      %get3A_23 = arith.constant 0 : index
      %get3A_24 = tpu.vector_load %arg4[%get3A, %get3A_23] {strides = array<i32>} : memref<104x128xf32, #tpu.memory_space<vmem>>, vector<16xf32>,
      %shift_right_logical3A = arith.constant 1 : i32
      %shift_right_logical3A_25 = vector.broadcast %shift_right_logical3A : i32 to vector<16xi32>
      %shift_right_logical3A_26 = arith.shrui %iota3A, %shift_right_logical3A_25 : vector<16xi32>
      %add3A_27 = arith.constant 0 : i32
      %add3A_28 = vector.broadcast %add3A_27 : i32 to vector<16xi32>
      %add3A_29 = arith.addi %add3A_28, %shift_right_logical3A_26 : vector<16xi32>
      %and3A_30 = arith.constant 1 : i32
      %and3A_31 = vector.broadcast %and3A_30 : i32 to vector<16xi32>
      %and3A_32 = arith.andi %iota3A, %and3A_31 : vector<16xi32>
      %scatter3A = arith.constant 0 : i32
      %scatter3A_33 = arith.constant 0 : i32
      %scatter3A_34 = tpu.memref_slice %arg5[%and3A_20, %scatter3A, %scatter3A_33] : memref<4x64x2xf32, #tpu.memory_space<vmem>> -> memref<1x64x2xf32, #tpu.memory_space<vmem>>
      %scatter3A_35 = tpu.memref_squeeze %scatter3A_34 : memref<1x64x2xf32, #tpu.memory_space<vmem>> -> memref<64x2xf32, #tpu.memory_space<vmem>>
      tpu.vector_store_idx %scatter3A_35[%add3A_29, %and3A_32], %get3A_24 : memref<64x2xf32, #tpu.memory_space<vmem>>[vector<16xi32>, vector<16xi32>], vector<16xf32>,
      %get3A_36 = arith.index_cast %add3A_19 : i32 to index
      %get3A_37 = arith.constant 16 : index
      %get3A_38 = tpu.vector_load %arg4[%get3A_36, %get3A_37] {strides = array<i32>} : memref<104x128xf32, #tpu.memory_space<vmem>>, vector<16xf32>,
      %shift_right_logical3A_39 = arith.constant 1 : i32
      %shift_right_logical3A_40 = vector.broadcast %shift_right_logical3A_39 : i32 to vector<16xi32>
      %shift_right_logical3A_41 = arith.shrui %iota3A, %shift_right_logical3A_40 : vector<16xi32>
      %add3A_42 = arith.constant 8 : i32
      %add3A_43 = vector.broadcast %add3A_42 : i32 to vector<16xi32>
      %add3A_44 = arith.addi %add3A_43, %shift_right_logical3A_41 : vector<16xi32>
      %and3A_45 = arith.constant 1 : i32
      %and3A_46 = vector.broadcast %and3A_45 : i32 to vector<16xi32>
      %and3A_47 = arith.andi %iota3A, %and3A_46 : vector<16xi32>
      %scatter3A_48 = arith.constant 0 : i32
      %scatter3A_49 = arith.constant 0 : i32
      %scatter3A_50 = tpu.memref_slice %arg5[%and3A_20, %scatter3A_48, %scatter3A_49] : memref<4x64x2xf32, #tpu.memory_space<vmem>> -> memref<1x64x2xf32, #tpu.memory_space<vmem>>
      %scatter3A_51 = tpu.memref_squeeze %scatter3A_50 : memref<1x64x2xf32, #tpu.memory_space<vmem>> -> memref<64x2xf32, #tpu.memory_space<vmem>>
      tpu.vector_store_idx %scatter3A_51[%add3A_44, %and3A_47], %get3A_38 : memref<64x2xf32, #tpu.memory_space<vmem>>[vector<16xi32>, vector<16xi32>], vector<16xf32>,
      %get3A_52 = arith.index_cast %add3A_19 : i32 to index
      %get3A_53 = arith.constant 32 : index
      %get3A_54 = tpu.vector_load %arg4[%get3A_52, %get3A_53] {strides = array<i32>} : memref<104x128xf32, #tpu.memory_space<vmem>>, vector<16xf32>,
      %shift_right_logical3A_55 = arith.constant 1 : i32
      %shift_right_logical3A_56 = vector.broadcast %shift_right_logical3A_55 : i32 to vector<16xi32>
      %shift_right_logical3A_57 = arith.shrui %iota3A, %shift_right_logical3A_56 : vector<16xi32>
      %add3A_58 = arith.constant 16 : i32
      %add3A_59 = vector.broadcast %add3A_58 : i32 to vector<16xi32>
      %add3A_60 = arith.addi %add3A_59, %shift_right_logical3A_57 : vector<16xi32>
      %and3A_61 = arith.constant 1 : i32
      %and3A_62 = vector.broadcast %and3A_61 : i32 to vector<16xi32>
      %and3A_63 = arith.andi %iota3A, %and3A_62 : vector<16xi32>
      %scatter3A_64 = arith.constant 0 : i32
      %scatter3A_65 = arith.constant 0 : i32
      %scatter3A_66 = tpu.memref_slice %arg5[%and3A_20, %scatter3A_64, %scatter3A_65] : memref<4x64x2xf32, #tpu.memory_space<vmem>> -> memref<1x64x2xf32, #tpu.memory_space<vmem>>
      %scatter3A_67 = tpu.memref_squeeze %scatter3A_66 : memref<1x64x2xf32, #tpu.memory_space<vmem>> -> memref<64x2xf32, #tpu.memory_space<vmem>>
      tpu.vector_store_idx %scatter3A_67[%add3A_60, %and3A_63], %get3A_54 : memref<64x2xf32, #tpu.memory_space<vmem>>[vector<16xi32>, vector<16xi32>], vector<16xf32>,
      %get3A_68 = arith.index_cast %add3A_19 : i32 to index
      %get3A_69 = arith.constant 48 : index
      %get3A_70 = tpu.vector_load %arg4[%get3A_68, %get3A_69] {strides = array<i32>} : memref<104x128xf32, #tpu.memory_space<vmem>>, vector<16xf32>,
      %shift_right_logical3A_71 = arith.constant 1 : i32
      %shift_right_logical3A_72 = vector.broadcast %shift_right_logical3A_71 : i32 to vector<16xi32>
      %shift_right_logical3A_73 = arith.shrui %iota3A, %shift_right_logical3A_72 : vector<16xi32>
      %add3A_74 = arith.constant 24 : i32
      %add3A_75 = vector.broadcast %add3A_74 : i32 to vector<16xi32>
      %add3A_76 = arith.addi %add3A_75, %shift_right_logical3A_73 : vector<16xi32>
      %and3A_77 = arith.constant 1 : i32
      %and3A_78 = vector.broadcast %and3A_77 : i32 to vector<16xi32>
      %and3A_79 = arith.andi %iota3A, %and3A_78 : vector<16xi32>
      %scatter3A_80 = arith.constant 0 : i32
      %scatter3A_81 = arith.constant 0 : i32
      %scatter3A_82 = tpu.memref_slice %arg5[%and3A_20, %scatter3A_80, %scatter3A_81] : memref<4x64x2xf32, #tpu.memory_space<vmem>> -> memref<1x64x2xf32, #tpu.memory_space<vmem>>
      %scatter3A_83 = tpu.memref_squeeze %scatter3A_82 : memref<1x64x2xf32, #tpu.memory_space<vmem>> -> memref<64x2xf32, #tpu.memory_space<vmem>>
      tpu.vector_store_idx %scatter3A_83[%add3A_76, %and3A_79], %get3A_70 : memref<64x2xf32, #tpu.memory_space<vmem>>[vector<16xi32>, vector<16xi32>], vector<16xf32>,
      %get3A_84 = arith.index_cast %add3A_19 : i32 to index
      %get3A_85 = arith.constant 64 : index
      %get3A_86 = tpu.vector_load %arg4[%get3A_84, %get3A_85] {strides = array<i32>} : memref<104x128xf32, #tpu.memory_space<vmem>>, vector<16xf32>,
      %shift_right_logical3A_87 = arith.constant 1 : i32
      %shift_right_logical3A_88 = vector.broadcast %shift_right_logical3A_87 : i32 to vector<16xi32>
      %shift_right_logical3A_89 = arith.shrui %iota3A, %shift_right_logical3A_88 : vector<16xi32>
      %add3A_90 = arith.constant 32 : i32
      %add3A_91 = vector.broadcast %add3A_90 : i32 to vector<16xi32>
      %add3A_92 = arith.addi %add3A_91, %shift_right_logical3A_89 : vector<16xi32>
      %and3A_93 = arith.constant 1 : i32
      %and3A_94 = vector.broadcast %and3A_93 : i32 to vector<16xi32>
      %and3A_95 = arith.andi %iota3A, %and3A_94 : vector<16xi32>
      %scatter3A_96 = arith.constant 0 : i32
      %scatter3A_97 = arith.constant 0 : i32
      %scatter3A_98 = tpu.memref_slice %arg5[%and3A_20, %scatter3A_96, %scatter3A_97] : memref<4x64x2xf32, #tpu.memory_space<vmem>> -> memref<1x64x2xf32, #tpu.memory_space<vmem>>
      %scatter3A_99 = tpu.memref_squeeze %scatter3A_98 : memref<1x64x2xf32, #tpu.memory_space<vmem>> -> memref<64x2xf32, #tpu.memory_space<vmem>>
      tpu.vector_store_idx %scatter3A_99[%add3A_92, %and3A_95], %get3A_86 : memref<64x2xf32, #tpu.memory_space<vmem>>[vector<16xi32>, vector<16xi32>], vector<16xf32>,
      %get3A_100 = arith.index_cast %add3A_19 : i32 to index
      %get3A_101 = arith.constant 80 : index
      %get3A_102 = tpu.vector_load %arg4[%get3A_100, %get3A_101] {strides = array<i32>} : memref<104x128xf32, #tpu.memory_space<vmem>>, vector<16xf32>,
      %shift_right_logical3A_103 = arith.constant 1 : i32
      %shift_right_logical3A_104 = vector.broadcast %shift_right_logical3A_103 : i32 to vector<16xi32>
      %shift_right_logical3A_105 = arith.shrui %iota3A, %shift_right_logical3A_104 : vector<16xi32>
      %add3A_106 = arith.constant 40 : i32
      %add3A_107 = vector.broadcast %add3A_106 : i32 to vector<16xi32>
      %add3A_108 = arith.addi %add3A_107, %shift_right_logical3A_105 : vector<16xi32>
      %and3A_109 = arith.constant 1 : i32
      %and3A_110 = vector.broadcast %and3A_109 : i32 to vector<16xi32>
      %and3A_111 = arith.andi %iota3A, %and3A_110 : vector<16xi32>
      %scatter3A_112 = arith.constant 0 : i32
      %scatter3A_113 = arith.constant 0 : i32
      %scatter3A_114 = tpu.memref_slice %arg5[%and3A_20, %scatter3A_112, %scatter3A_113] : memref<4x64x2xf32, #tpu.memory_space<vmem>> -> memref<1x64x2xf32, #tpu.memory_space<vmem>>
      %scatter3A_115 = tpu.memref_squeeze %scatter3A_114 : memref<1x64x2xf32, #tpu.memory_space<vmem>> -> memref<64x2xf32, #tpu.memory_space<vmem>>
      tpu.vector_store_idx %scatter3A_115[%add3A_108, %and3A_111], %get3A_102 : memref<64x2xf32, #tpu.memory_space<vmem>>[vector<16xi32>, vector<16xi32>], vector<16xf32>,
      %get3A_116 = arith.index_cast %add3A_19 : i32 to index
      %get3A_117 = arith.constant 96 : index
      %get3A_118 = tpu.vector_load %arg4[%get3A_116, %get3A_117] {strides = array<i32>} : memref<104x128xf32, #tpu.memory_space<vmem>>, vector<16xf32>,
      %shift_right_logical3A_119 = arith.constant 1 : i32
      %shift_right_logical3A_120 = vector.broadcast %shift_right_logical3A_119 : i32 to vector<16xi32>
      %shift_right_logical3A_121 = arith.shrui %iota3A, %shift_right_logical3A_120 : vector<16xi32>
      %add3A_122 = arith.constant 48 : i32
      %add3A_123 = vector.broadcast %add3A_122 : i32 to vector<16xi32>
      %add3A_124 = arith.addi %add3A_123, %shift_right_logical3A_121 : vector<16xi32>
      %and3A_125 = arith.constant 1 : i32
      %and3A_126 = vector.broadcast %and3A_125 : i32 to vector<16xi32>
      %and3A_127 = arith.andi %iota3A, %and3A_126 : vector<16xi32>
      %scatter3A_128 = arith.constant 0 : i32
      %scatter3A_129 = arith.constant 0 : i32
      %scatter3A_130 = tpu.memref_slice %arg5[%and3A_20, %scatter3A_128, %scatter3A_129] : memref<4x64x2xf32, #tpu.memory_space<vmem>> -> memref<1x64x2xf32, #tpu.memory_space<vmem>>
      %scatter3A_131 = tpu.memref_squeeze %scatter3A_130 : memref<1x64x2xf32, #tpu.memory_space<vmem>> -> memref<64x2xf32, #tpu.memory_space<vmem>>
      tpu.vector_store_idx %scatter3A_131[%add3A_124, %and3A_127], %get3A_118 : memref<64x2xf32, #tpu.memory_space<vmem>>[vector<16xi32>, vector<16xi32>], vector<16xf32>,
      %get3A_132 = arith.index_cast %add3A_19 : i32 to index
      %get3A_133 = arith.constant 112 : index
      %get3A_134 = tpu.vector_load %arg4[%get3A_132, %get3A_133] {strides = array<i32>} : memref<104x128xf32, #tpu.memory_space<vmem>>, vector<16xf32>,
      %shift_right_logical3A_135 = arith.constant 1 : i32
      %shift_right_logical3A_136 = vector.broadcast %shift_right_logical3A_135 : i32 to vector<16xi32>
      %shift_right_logical3A_137 = arith.shrui %iota3A, %shift_right_logical3A_136 : vector<16xi32>
      %add3A_138 = arith.constant 56 : i32
      %add3A_139 = vector.broadcast %add3A_138 : i32 to vector<16xi32>
      %add3A_140 = arith.addi %add3A_139, %shift_right_logical3A_137 : vector<16xi32>
      %and3A_141 = arith.constant 1 : i32
      %and3A_142 = vector.broadcast %and3A_141 : i32 to vector<16xi32>
      %and3A_143 = arith.andi %iota3A, %and3A_142 : vector<16xi32>
      %scatter3A_144 = arith.constant 0 : i32
      %scatter3A_145 = arith.constant 0 : i32
      %scatter3A_146 = tpu.memref_slice %arg5[%and3A_20, %scatter3A_144, %scatter3A_145] : memref<4x64x2xf32, #tpu.memory_space<vmem>> -> memref<1x64x2xf32, #tpu.memory_space<vmem>>
      %scatter3A_147 = tpu.memref_squeeze %scatter3A_146 : memref<1x64x2xf32, #tpu.memory_space<vmem>> -> memref<64x2xf32, #tpu.memory_space<vmem>>
      tpu.vector_store_idx %scatter3A_147[%add3A_140, %and3A_143], %get3A_134 : memref<64x2xf32, #tpu.memory_space<vmem>>[vector<16xi32>, vector<16xi32>], vector<16xf32>,
      %mul3A_148 = arith.constant 64 : i32
      %mul3A_149 = arith.muli %add3A_19, %mul3A_148 : i32
      %add3A_150 = arith.addi %multiple_of3A_5, %mul3A_149 : i32
      %multiple_of3A_151 = tpu.assume_multiple %add3A_150, 8 : i32
      %dma_start3A = arith.constant 0 : i32
      %dma_start3A_152 = arith.constant 0 : i32
      %dma_start3A_153 = tpu.memref_slice %arg5[%and3A_20, %dma_start3A, %dma_start3A_152] : memref<4x64x2xf32, #tpu.memory_space<vmem>> -> memref<1x64x2xf32, #tpu.memory_space<vmem>>
      %dma_start3A_154 = tpu.memref_squeeze %dma_start3A_153 : memref<1x64x2xf32, #tpu.memory_space<vmem>> -> memref<64x2xf32, #tpu.memory_space<vmem>>
      %dma_start3A_155 = arith.constant 0 : i32
      %dma_start3A_156 = tpu.memref_slice %arg3[%multiple_of3A_151, %dma_start3A_155] : memref<200704x2xf32, #tpu.memory_space<hbm>> -> memref<64x2xf32, #tpu.memory_space<hbm>>
      %dma_start3A_157 = arith.constant 0 : i32
      %dma_start3A_158 = tpu.memref_slice %arg3[%multiple_of3A_151, %dma_start3A_157] : memref<200704x2xf32, #tpu.memory_space<hbm>> -> memref<64x2xf32, #tpu.memory_space<hbm>>
      %dma_start3A_159 = arith.constant 0 : i32
      %dma_start3A_160 = arith.constant 0 : i32
      %dma_start3A_161 = tpu.memref_slice %arg5[%and3A_20, %dma_start3A_159, %dma_start3A_160] : memref<4x64x2xf32, #tpu.memory_space<vmem>> -> memref<1x64x2xf32, #tpu.memory_space<vmem>>
      %dma_start3A_162 = tpu.memref_squeeze %dma_start3A_161 : memref<1x64x2xf32, #tpu.memory_space<vmem>> -> memref<64x2xf32, #tpu.memory_space<vmem>>
      tpu.enqueue_dma source(%dma_start3A_162 : memref<64x2xf32, #tpu.memory_space<vmem>>) target(%dma_start3A_158 : memref<64x2xf32, #tpu.memory_space<hbm>>) target_semaphore(%arg6 : memref<!tpu.dma_semaphore, #tpu.memory_space<semaphore_mem>>)
    }
    %scan3A_9 = arith.constant 98 : i32
    %scan3A_10 = arith.constant 0 : i32
    %scan3A_11 = arith.constant 4 : i32
    %scan3A_12 = arith.addi %scan3A_10, %scan3A_11 : i32
    %scan3A_13 = arith.constant 1 : i32
    scf.for %scan3A_15 = %scan3A_10 to %scan3A_12 step %scan3A_13  : i32 {
      %mul3A_16 = arith.constant 1 : i32
      %mul3A_17 = arith.muli %scan3A_15, %mul3A_16 : i32
      %add3A_18 = arith.constant 94 : i32
      %add3A_19 = arith.addi %add3A_18, %mul3A_17 : i32
      %and3A = arith.constant 3 : i32
      %and3A_20 = arith.andi %add3A_19, %and3A : i32
      %mul3A_21 = arith.constant 64 : i32
      %mul3A_22 = arith.muli %add3A_19, %mul3A_21 : i32
      %add3A_23 = arith.addi %multiple_of3A_5, %mul3A_22 : i32
      %multiple_of3A_24 = tpu.assume_multiple %add3A_23, 8 : i32
      %dma_wait3A = arith.constant 0 : i32
      %dma_wait3A_25 = arith.constant 0 : i32
      %dma_wait3A_26 = tpu.memref_slice %arg5[%and3A_20, %dma_wait3A, %dma_wait3A_25] : memref<4x64x2xf32, #tpu.memory_space<vmem>> -> memref<1x64x2xf32, #tpu.memory_space<vmem>>
      %dma_wait3A_27 = tpu.memref_squeeze %dma_wait3A_26 : memref<1x64x2xf32, #tpu.memory_space<vmem>> -> memref<64x2xf32, #tpu.memory_space<vmem>>
      %dma_wait3A_28 = arith.constant 0 : i32
      %dma_wait3A_29 = tpu.memref_slice %arg3[%multiple_of3A_24, %dma_wait3A_28] : memref<200704x2xf32, #tpu.memory_space<hbm>> -> memref<64x2xf32, #tpu.memory_space<hbm>>
      %dma_wait3A_30 = arith.constant 0 : i32
      %dma_wait3A_31 = tpu.memref_slice %arg3[%multiple_of3A_24, %dma_wait3A_30] : memref<200704x2xf32, #tpu.memory_space<hbm>> -> memref<64x2xf32, #tpu.memory_space<hbm>>
      %dma_wait3A_32 = arith.constant 0 : i32
      %dma_wait3A_33 = arith.constant 0 : i32
      %dma_wait3A_34 = tpu.memref_slice %arg5[%and3A_20, %dma_wait3A_32, %dma_wait3A_33] : memref<4x64x2xf32, #tpu.memory_space<vmem>> -> memref<1x64x2xf32, #tpu.memory_space<vmem>>
      %dma_wait3A_35 = tpu.memref_squeeze %dma_wait3A_34 : memref<1x64x2xf32, #tpu.memory_space<vmem>> -> memref<64x2xf32, #tpu.memory_space<vmem>>
      tpu.wait_dma2 semaphore(%arg6 : memref<!tpu.dma_semaphore, #tpu.memory_space<semaphore_mem>>) src(%dma_wait3A_35 : memref<64x2xf32, #tpu.memory_space<vmem>>) dst(%dma_wait3A_31 : memref<64x2xf32, #tpu.memory_space<hbm>>)
    }
    %scan3A_14 = arith.constant 4 : i32
    return
  }
}

#map = affine_map<(d0, d1) -> (0, 0)>
module attributes {stable_mosaic.version = 14 : i64} {
  func.func @_gather_kernel(%arg0: i32, %arg1: i32, %arg2: memref<25088x16xf32, #tpu.memory_space<hbm>>, %arg3: memref<1568x128xi32, #tpu.memory_space<hbm>>, %arg4: memref<3328x128xf32, #tpu.memory_space<hbm>>, %arg5: memref<49x128xi32, #tpu.memory_space<vmem>>, %arg6: memref<49x128xi32, #tpu.memory_space<vmem>>, %arg7: memref<6272x16xf32, #tpu.memory_space<vmem>>, %arg8: memref<98x128xf32, #tpu.memory_space<vmem>>, %arg9: memref<!tpu.dma_semaphore, #tpu.memory_space<semaphore_mem>>) attributes {dimension_semantics = [#tpu.dimension_semantics<core_parallel>, #tpu.dimension_semantics<subcore_parallel>], iteration_bounds = array<i64: 2, 16>, scalar_prefetch = 0 : i64, scratch_operands = 5 : i64, tpu.core_type = #tpu.core_type<sc_vector_subcore>, window_params = [{transform_indices = #map}, {transform_indices = #map}, {transform_indices = #map}]} {
    %mul3A = arith.constant 2 : i32
    %mul3A_0 = arith.muli %arg1, %mul3A : i32
    %add3A = arith.addi %mul3A_0, %arg0 : i32
    %mul3A_1 = arith.constant 49 : i32
    %mul3A_2 = arith.muli %add3A, %mul3A_1 : i32
    "tpu.region"() ({
      %run_scoped3A = tpu.sem_alloc : memref<!tpu.dma_semaphore, #tpu.memory_space<semaphore_mem>>
      %dma_start3A = arith.constant 0 : i32
      %dma_start3A_19 = tpu.memref_slice %arg3[%mul3A_2, %dma_start3A] : memref<1568x128xi32, #tpu.memory_space<hbm>> -> memref<49x128xi32, #tpu.memory_space<hbm>>
      %dma_start3A_20 = arith.constant 0 : i32
      %dma_start3A_21 = tpu.memref_slice %arg3[%mul3A_2, %dma_start3A_20] : memref<1568x128xi32, #tpu.memory_space<hbm>> -> memref<49x128xi32, #tpu.memory_space<hbm>>
      tpu.enqueue_dma source(%dma_start3A_21 : memref<49x128xi32, #tpu.memory_space<hbm>>) target(%arg5 : memref<49x128xi32, #tpu.memory_space<vmem>>) target_semaphore(%run_scoped3A : memref<!tpu.dma_semaphore, #tpu.memory_space<semaphore_mem>>)
      %dma_wait3A_22 = arith.constant 0 : i32
      %dma_wait3A_23 = tpu.memref_slice %arg3[%mul3A_2, %dma_wait3A_22] : memref<1568x128xi32, #tpu.memory_space<hbm>> -> memref<49x128xi32, #tpu.memory_space<hbm>>
      %dma_wait3A_24 = arith.constant 0 : i32
      %dma_wait3A_25 = tpu.memref_slice %arg3[%mul3A_2, %dma_wait3A_24] : memref<1568x128xi32, #tpu.memory_space<hbm>> -> memref<49x128xi32, #tpu.memory_space<hbm>>
      tpu.wait_dma2 semaphore(%run_scoped3A : memref<!tpu.dma_semaphore, #tpu.memory_space<semaphore_mem>>) src(%dma_wait3A_25 : memref<49x128xi32, #tpu.memory_space<hbm>>) dst(%arg5 : memref<49x128xi32, #tpu.memory_space<vmem>>)
      tpu.yield
    }) : () -> ()
    %scan3A = arith.constant 0 : i32
    %scan3A_3 = arith.constant 49 : i32
    %scan3A_4 = arith.addi %scan3A, %scan3A_3 : i32
    %scan3A_5 = arith.constant 1 : i32
    scf.for %scan3A_19 = %scan3A to %scan3A_4 step %scan3A_5  : i32 {
      %mul3A_20 = arith.constant 1 : i32
      %mul3A_21 = arith.muli %scan3A_19, %mul3A_20 : i32
      %add3A_22 = arith.constant 0 : i32
      %add3A_23 = arith.addi %add3A_22, %mul3A_21 : i32
      %get3A = arith.index_cast %add3A_23 : i32 to index
      %get3A_24 = arith.constant 0 : index
      %get3A_25 = tpu.vector_load %arg5[%get3A, %get3A_24] {strides = array<i32>} : memref<49x128xi32, #tpu.memory_space<vmem>>, vector<16xi32>,
      %shift_right_logical3A = arith.constant 3 : i32
      %shift_right_logical3A_26 = vector.broadcast %shift_right_logical3A : i32 to vector<16xi32>
      %shift_right_logical3A_27 = arith.shrui %get3A_25, %shift_right_logical3A_26 : vector<16xi32>
      %swap3A = arith.index_cast %add3A_23 : i32 to index
      %swap3A_28 = arith.constant 0 : index
      %swap3A_29 = tpu.vector_load %arg6[%swap3A, %swap3A_28] {strides = array<i32>} : memref<49x128xi32, #tpu.memory_space<vmem>>, vector<16xi32>,
      tpu.vector_store %arg6[%swap3A, %swap3A_28], %shift_right_logical3A_27 {strides = array<i32>} : memref<49x128xi32, #tpu.memory_space<vmem>>, vector<16xi32>,
      %get3A_30 = arith.index_cast %add3A_23 : i32 to index
      %get3A_31 = arith.constant 16 : index
      %get3A_32 = tpu.vector_load %arg5[%get3A_30, %get3A_31] {strides = array<i32>} : memref<49x128xi32, #tpu.memory_space<vmem>>, vector<16xi32>,
      %shift_right_logical3A_33 = arith.constant 3 : i32
      %shift_right_logical3A_34 = vector.broadcast %shift_right_logical3A_33 : i32 to vector<16xi32>
      %shift_right_logical3A_35 = arith.shrui %get3A_32, %shift_right_logical3A_34 : vector<16xi32>
      %swap3A_36 = arith.index_cast %add3A_23 : i32 to index
      %swap3A_37 = arith.constant 16 : index
      %swap3A_38 = tpu.vector_load %arg6[%swap3A_36, %swap3A_37] {strides = array<i32>} : memref<49x128xi32, #tpu.memory_space<vmem>>, vector<16xi32>,
      tpu.vector_store %arg6[%swap3A_36, %swap3A_37], %shift_right_logical3A_35 {strides = array<i32>} : memref<49x128xi32, #tpu.memory_space<vmem>>, vector<16xi32>,
      %get3A_39 = arith.index_cast %add3A_23 : i32 to index
      %get3A_40 = arith.constant 32 : index
      %get3A_41 = tpu.vector_load %arg5[%get3A_39, %get3A_40] {strides = array<i32>} : memref<49x128xi32, #tpu.memory_space<vmem>>, vector<16xi32>,
      %shift_right_logical3A_42 = arith.constant 3 : i32
      %shift_right_logical3A_43 = vector.broadcast %shift_right_logical3A_42 : i32 to vector<16xi32>
      %shift_right_logical3A_44 = arith.shrui %get3A_41, %shift_right_logical3A_43 : vector<16xi32>
      %swap3A_45 = arith.index_cast %add3A_23 : i32 to index
      %swap3A_46 = arith.constant 32 : index
      %swap3A_47 = tpu.vector_load %arg6[%swap3A_45, %swap3A_46] {strides = array<i32>} : memref<49x128xi32, #tpu.memory_space<vmem>>, vector<16xi32>,
      tpu.vector_store %arg6[%swap3A_45, %swap3A_46], %shift_right_logical3A_44 {strides = array<i32>} : memref<49x128xi32, #tpu.memory_space<vmem>>, vector<16xi32>,
      %get3A_48 = arith.index_cast %add3A_23 : i32 to index
      %get3A_49 = arith.constant 48 : index
      %get3A_50 = tpu.vector_load %arg5[%get3A_48, %get3A_49] {strides = array<i32>} : memref<49x128xi32, #tpu.memory_space<vmem>>, vector<16xi32>,
      %shift_right_logical3A_51 = arith.constant 3 : i32
      %shift_right_logical3A_52 = vector.broadcast %shift_right_logical3A_51 : i32 to vector<16xi32>
      %shift_right_logical3A_53 = arith.shrui %get3A_50, %shift_right_logical3A_52 : vector<16xi32>
      %swap3A_54 = arith.index_cast %add3A_23 : i32 to index
      %swap3A_55 = arith.constant 48 : index
      %swap3A_56 = tpu.vector_load %arg6[%swap3A_54, %swap3A_55] {strides = array<i32>} : memref<49x128xi32, #tpu.memory_space<vmem>>, vector<16xi32>,
      tpu.vector_store %arg6[%swap3A_54, %swap3A_55], %shift_right_logical3A_53 {strides = array<i32>} : memref<49x128xi32, #tpu.memory_space<vmem>>, vector<16xi32>,
      %get3A_57 = arith.index_cast %add3A_23 : i32 to index
      %get3A_58 = arith.constant 64 : index
      %get3A_59 = tpu.vector_load %arg5[%get3A_57, %get3A_58] {strides = array<i32>} : memref<49x128xi32, #tpu.memory_space<vmem>>, vector<16xi32>,
      %shift_right_logical3A_60 = arith.constant 3 : i32
      %shift_right_logical3A_61 = vector.broadcast %shift_right_logical3A_60 : i32 to vector<16xi32>
      %shift_right_logical3A_62 = arith.shrui %get3A_59, %shift_right_logical3A_61 : vector<16xi32>
      %swap3A_63 = arith.index_cast %add3A_23 : i32 to index
      %swap3A_64 = arith.constant 64 : index
      %swap3A_65 = tpu.vector_load %arg6[%swap3A_63, %swap3A_64] {strides = array<i32>} : memref<49x128xi32, #tpu.memory_space<vmem>>, vector<16xi32>,
      tpu.vector_store %arg6[%swap3A_63, %swap3A_64], %shift_right_logical3A_62 {strides = array<i32>} : memref<49x128xi32, #tpu.memory_space<vmem>>, vector<16xi32>,
      %get3A_66 = arith.index_cast %add3A_23 : i32 to index
      %get3A_67 = arith.constant 80 : index
      %get3A_68 = tpu.vector_load %arg5[%get3A_66, %get3A_67] {strides = array<i32>} : memref<49x128xi32, #tpu.memory_space<vmem>>, vector<16xi32>,
      %shift_right_logical3A_69 = arith.constant 3 : i32
      %shift_right_logical3A_70 = vector.broadcast %shift_right_logical3A_69 : i32 to vector<16xi32>
      %shift_right_logical3A_71 = arith.shrui %get3A_68, %shift_right_logical3A_70 : vector<16xi32>
      %swap3A_72 = arith.index_cast %add3A_23 : i32 to index
      %swap3A_73 = arith.constant 80 : index
      %swap3A_74 = tpu.vector_load %arg6[%swap3A_72, %swap3A_73] {strides = array<i32>} : memref<49x128xi32, #tpu.memory_space<vmem>>, vector<16xi32>,
      tpu.vector_store %arg6[%swap3A_72, %swap3A_73], %shift_right_logical3A_71 {strides = array<i32>} : memref<49x128xi32, #tpu.memory_space<vmem>>, vector<16xi32>,
      %get3A_75 = arith.index_cast %add3A_23 : i32 to index
      %get3A_76 = arith.constant 96 : index
      %get3A_77 = tpu.vector_load %arg5[%get3A_75, %get3A_76] {strides = array<i32>} : memref<49x128xi32, #tpu.memory_space<vmem>>, vector<16xi32>,
      %shift_right_logical3A_78 = arith.constant 3 : i32
      %shift_right_logical3A_79 = vector.broadcast %shift_right_logical3A_78 : i32 to vector<16xi32>
      %shift_right_logical3A_80 = arith.shrui %get3A_77, %shift_right_logical3A_79 : vector<16xi32>
      %swap3A_81 = arith.index_cast %add3A_23 : i32 to index
      %swap3A_82 = arith.constant 96 : index
      %swap3A_83 = tpu.vector_load %arg6[%swap3A_81, %swap3A_82] {strides = array<i32>} : memref<49x128xi32, #tpu.memory_space<vmem>>, vector<16xi32>,
      tpu.vector_store %arg6[%swap3A_81, %swap3A_82], %shift_right_logical3A_80 {strides = array<i32>} : memref<49x128xi32, #tpu.memory_space<vmem>>, vector<16xi32>,
      %get3A_84 = arith.index_cast %add3A_23 : i32 to index
      %get3A_85 = arith.constant 112 : index
      %get3A_86 = tpu.vector_load %arg5[%get3A_84, %get3A_85] {strides = array<i32>} : memref<49x128xi32, #tpu.memory_space<vmem>>, vector<16xi32>,
      %shift_right_logical3A_87 = arith.constant 3 : i32
      %shift_right_logical3A_88 = vector.broadcast %shift_right_logical3A_87 : i32 to vector<16xi32>
      %shift_right_logical3A_89 = arith.shrui %get3A_86, %shift_right_logical3A_88 : vector<16xi32>
      %swap3A_90 = arith.index_cast %add3A_23 : i32 to index
      %swap3A_91 = arith.constant 112 : index
      %swap3A_92 = tpu.vector_load %arg6[%swap3A_90, %swap3A_91] {strides = array<i32>} : memref<49x128xi32, #tpu.memory_space<vmem>>, vector<16xi32>,
      tpu.vector_store %arg6[%swap3A_90, %swap3A_91], %shift_right_logical3A_89 {strides = array<i32>} : memref<49x128xi32, #tpu.memory_space<vmem>>, vector<16xi32>,
      %mul3A_93 = arith.constant 128 : i32
      %mul3A_94 = arith.muli %add3A_23, %mul3A_93 : i32
      %dma_start3A = arith.constant 0 : i32
      %dma_start3A_95 = tpu.memref_slice %arg7[%mul3A_94, %dma_start3A] : memref<6272x16xf32, #tpu.memory_space<vmem>> -> memref<128x16xf32, #tpu.memory_space<vmem>>
      %dma_start3A_96 = arith.constant 0 : i32
      %dma_start3A_97 = tpu.memref_slice %arg6[%add3A_23, %dma_start3A_96] : memref<49x128xi32, #tpu.memory_space<vmem>> -> memref<1x128xi32, #tpu.memory_space<vmem>>
      %dma_start3A_98 = tpu.memref_squeeze %dma_start3A_97 : memref<1x128xi32, #tpu.memory_space<vmem>> -> memref<128xi32, #tpu.memory_space<vmem>>
      %dma_start3A_99 = arith.constant 0 : i32
      %dma_start3A_100 = arith.constant 0 : i32
      %dma_start3A_101 = tpu.memref_slice %arg2[%dma_start3A_99, %dma_start3A_100] : memref<25088x16xf32, #tpu.memory_space<hbm>> -> memref<25088x16xf32, #tpu.memory_space<hbm>>
      tpu.enqueue_indirect_dma source(%dma_start3A_101 : memref<25088x16xf32, #tpu.memory_space<hbm>>) target(%dma_start3A_95 : memref<128x16xf32, #tpu.memory_space<vmem>>) offsets(%dma_start3A_98 : memref<128xi32, #tpu.memory_space<vmem>>) semaphore(%arg9 : memref<!tpu.dma_semaphore, #tpu.memory_space<semaphore_mem>>)
    }
    %scan3A_6 = arith.constant 49 : i32
    %dma_wait3A = arith.constant 0 : i32
    %dma_wait3A_7 = arith.constant 0 : i32
    %dma_wait3A_8 = tpu.memref_slice %arg2[%dma_wait3A, %dma_wait3A_7] : memref<25088x16xf32, #tpu.memory_space<hbm>> -> memref<6272x16xf32, #tpu.memory_space<hbm>>
    %dma_wait3A_9 = arith.constant 0 : i32
    %dma_wait3A_10 = arith.constant 0 : i32
    %dma_wait3A_11 = tpu.memref_slice %arg2[%dma_wait3A_9, %dma_wait3A_10] : memref<25088x16xf32, #tpu.memory_space<hbm>> -> memref<6272x16xf32, #tpu.memory_space<hbm>>
    tpu.wait_dma2 semaphore(%arg9 : memref<!tpu.dma_semaphore, #tpu.memory_space<semaphore_mem>>) src(%dma_wait3A_11 : memref<6272x16xf32, #tpu.memory_space<hbm>>) dst(%arg7 : memref<6272x16xf32, #tpu.memory_space<vmem>>)
    %scan3A_12 = arith.constant 0 : i32
    %scan3A_13 = arith.constant 49 : i32
    %scan3A_14 = arith.addi %scan3A_12, %scan3A_13 : i32
    %scan3A_15 = arith.constant 1 : i32
    scf.for %scan3A_19 = %scan3A_12 to %scan3A_14 step %scan3A_15  : i32 {
      %mul3A_20 = arith.constant 1 : i32
      %mul3A_21 = arith.muli %scan3A_19, %mul3A_20 : i32
      %add3A_22 = arith.constant 0 : i32
      %add3A_23 = arith.addi %add3A_22, %mul3A_21 : i32
      %get3A = arith.index_cast %add3A_23 : i32 to index
      %get3A_24 = arith.constant 0 : index
      %get3A_25 = tpu.vector_load %arg5[%get3A, %get3A_24] {strides = array<i32>} : memref<49x128xi32, #tpu.memory_space<vmem>>, vector<16xi32>,
      %and3A = arith.constant 7 : i32
      %and3A_26 = vector.broadcast %and3A : i32 to vector<16xi32>
      %and3A_27 = arith.andi %get3A_25, %and3A_26 : vector<16xi32>
      %shift_left3A = arith.constant 1 : i32
      %shift_left3A_28 = vector.broadcast %shift_left3A : i32 to vector<16xi32>
      %shift_left3A_29 = arith.shli %and3A_27, %shift_left3A_28 : vector<16xi32>
      %iota3A = tpu.iota {dimensions = array<i32: 0>} : vector<16xi32>
      %mul3A_30 = arith.constant 128 : i32
      %mul3A_31 = arith.muli %add3A_23, %mul3A_30 : i32
      %add3A_32 = arith.constant 0 : i32
      %add3A_33 = arith.addi %mul3A_31, %add3A_32 : i32
      %add3A_34 = vector.broadcast %add3A_33 : i32 to vector<16xi32>
      %add3A_35 = arith.addi %iota3A, %add3A_34 : vector<16xi32>
      %gather3A = tpu.vector_load_idx %arg7[%add3A_35, %shift_left3A_29] : memref<6272x16xf32, #tpu.memory_space<vmem>>[vector<16xi32>, vector<16xi32>], vector<16xf32>,
      %add3A_36 = arith.constant 1 : i32
      %add3A_37 = vector.broadcast %add3A_36 : i32 to vector<16xi32>
      %add3A_38 = arith.addi %shift_left3A_29, %add3A_37 : vector<16xi32>
      %gather3A_39 = tpu.vector_load_idx %arg7[%add3A_35, %add3A_38] : memref<6272x16xf32, #tpu.memory_space<vmem>>[vector<16xi32>, vector<16xi32>], vector<16xf32>,
      %shift_left3A_40 = arith.constant 1 : i32
      %shift_left3A_41 = vector.broadcast %shift_left3A_40 : i32 to vector<16xi32>
      %shift_left3A_42 = arith.shli %add3A_35, %shift_left3A_41 : vector<16xi32>
      %shift_right_logical3A = arith.constant 7 : i32
      %shift_right_logical3A_43 = vector.broadcast %shift_right_logical3A : i32 to vector<16xi32>
      %shift_right_logical3A_44 = arith.shrui %shift_left3A_42, %shift_right_logical3A_43 : vector<16xi32>
      %and3A_45 = arith.constant 127 : i32
      %and3A_46 = vector.broadcast %and3A_45 : i32 to vector<16xi32>
      %and3A_47 = arith.andi %shift_left3A_42, %and3A_46 : vector<16xi32>
      tpu.vector_store_idx %arg8[%shift_right_logical3A_44, %and3A_47], %gather3A : memref<98x128xf32, #tpu.memory_space<vmem>>[vector<16xi32>, vector<16xi32>], vector<16xf32>,
      %add3A_48 = arith.constant 1 : i32
      %add3A_49 = vector.broadcast %add3A_48 : i32 to vector<16xi32>
      %add3A_50 = arith.addi %shift_left3A_42, %add3A_49 : vector<16xi32>
      %shift_right_logical3A_51 = arith.constant 7 : i32
      %shift_right_logical3A_52 = vector.broadcast %shift_right_logical3A_51 : i32 to vector<16xi32>
      %shift_right_logical3A_53 = arith.shrui %add3A_50, %shift_right_logical3A_52 : vector<16xi32>
      %and3A_54 = arith.constant 127 : i32
      %and3A_55 = vector.broadcast %and3A_54 : i32 to vector<16xi32>
      %and3A_56 = arith.andi %add3A_50, %and3A_55 : vector<16xi32>
      tpu.vector_store_idx %arg8[%shift_right_logical3A_53, %and3A_56], %gather3A_39 : memref<98x128xf32, #tpu.memory_space<vmem>>[vector<16xi32>, vector<16xi32>], vector<16xf32>,
      %get3A_57 = arith.index_cast %add3A_23 : i32 to index
      %get3A_58 = arith.constant 16 : index
      %get3A_59 = tpu.vector_load %arg5[%get3A_57, %get3A_58] {strides = array<i32>} : memref<49x128xi32, #tpu.memory_space<vmem>>, vector<16xi32>,
      %and3A_60 = arith.constant 7 : i32
      %and3A_61 = vector.broadcast %and3A_60 : i32 to vector<16xi32>
      %and3A_62 = arith.andi %get3A_59, %and3A_61 : vector<16xi32>
      %shift_left3A_63 = arith.constant 1 : i32
      %shift_left3A_64 = vector.broadcast %shift_left3A_63 : i32 to vector<16xi32>
      %shift_left3A_65 = arith.shli %and3A_62, %shift_left3A_64 : vector<16xi32>
      %iota3A_66 = tpu.iota {dimensions = array<i32: 0>} : vector<16xi32>
      %mul3A_67 = arith.constant 128 : i32
      %mul3A_68 = arith.muli %add3A_23, %mul3A_67 : i32
      %add3A_69 = arith.constant 16 : i32
      %add3A_70 = arith.addi %mul3A_68, %add3A_69 : i32
      %add3A_71 = vector.broadcast %add3A_70 : i32 to vector<16xi32>
      %add3A_72 = arith.addi %iota3A_66, %add3A_71 : vector<16xi32>
      %gather3A_73 = tpu.vector_load_idx %arg7[%add3A_72, %shift_left3A_65] : memref<6272x16xf32, #tpu.memory_space<vmem>>[vector<16xi32>, vector<16xi32>], vector<16xf32>,
      %add3A_74 = arith.constant 1 : i32
      %add3A_75 = vector.broadcast %add3A_74 : i32 to vector<16xi32>
      %add3A_76 = arith.addi %shift_left3A_65, %add3A_75 : vector<16xi32>
      %gather3A_77 = tpu.vector_load_idx %arg7[%add3A_72, %add3A_76] : memref<6272x16xf32, #tpu.memory_space<vmem>>[vector<16xi32>, vector<16xi32>], vector<16xf32>,
      %shift_left3A_78 = arith.constant 1 : i32
      %shift_left3A_79 = vector.broadcast %shift_left3A_78 : i32 to vector<16xi32>
      %shift_left3A_80 = arith.shli %add3A_72, %shift_left3A_79 : vector<16xi32>
      %shift_right_logical3A_81 = arith.constant 7 : i32
      %shift_right_logical3A_82 = vector.broadcast %shift_right_logical3A_81 : i32 to vector<16xi32>
      %shift_right_logical3A_83 = arith.shrui %shift_left3A_80, %shift_right_logical3A_82 : vector<16xi32>
      %and3A_84 = arith.constant 127 : i32
      %and3A_85 = vector.broadcast %and3A_84 : i32 to vector<16xi32>
      %and3A_86 = arith.andi %shift_left3A_80, %and3A_85 : vector<16xi32>
      tpu.vector_store_idx %arg8[%shift_right_logical3A_83, %and3A_86], %gather3A_73 : memref<98x128xf32, #tpu.memory_space<vmem>>[vector<16xi32>, vector<16xi32>], vector<16xf32>,
      %add3A_87 = arith.constant 1 : i32
      %add3A_88 = vector.broadcast %add3A_87 : i32 to vector<16xi32>
      %add3A_89 = arith.addi %shift_left3A_80, %add3A_88 : vector<16xi32>
      %shift_right_logical3A_90 = arith.constant 7 : i32
      %shift_right_logical3A_91 = vector.broadcast %shift_right_logical3A_90 : i32 to vector<16xi32>
      %shift_right_logical3A_92 = arith.shrui %add3A_89, %shift_right_logical3A_91 : vector<16xi32>
      %and3A_93 = arith.constant 127 : i32
      %and3A_94 = vector.broadcast %and3A_93 : i32 to vector<16xi32>
      %and3A_95 = arith.andi %add3A_89, %and3A_94 : vector<16xi32>
      tpu.vector_store_idx %arg8[%shift_right_logical3A_92, %and3A_95], %gather3A_77 : memref<98x128xf32, #tpu.memory_space<vmem>>[vector<16xi32>, vector<16xi32>], vector<16xf32>,
      %get3A_96 = arith.index_cast %add3A_23 : i32 to index
      %get3A_97 = arith.constant 32 : index
      %get3A_98 = tpu.vector_load %arg5[%get3A_96, %get3A_97] {strides = array<i32>} : memref<49x128xi32, #tpu.memory_space<vmem>>, vector<16xi32>,
      %and3A_99 = arith.constant 7 : i32
      %and3A_100 = vector.broadcast %and3A_99 : i32 to vector<16xi32>
      %and3A_101 = arith.andi %get3A_98, %and3A_100 : vector<16xi32>
      %shift_left3A_102 = arith.constant 1 : i32
      %shift_left3A_103 = vector.broadcast %shift_left3A_102 : i32 to vector<16xi32>
      %shift_left3A_104 = arith.shli %and3A_101, %shift_left3A_103 : vector<16xi32>
      %iota3A_105 = tpu.iota {dimensions = array<i32: 0>} : vector<16xi32>
      %mul3A_106 = arith.constant 128 : i32
      %mul3A_107 = arith.muli %add3A_23, %mul3A_106 : i32
      %add3A_108 = arith.constant 32 : i32
      %add3A_109 = arith.addi %mul3A_107, %add3A_108 : i32
      %add3A_110 = vector.broadcast %add3A_109 : i32 to vector<16xi32>
      %add3A_111 = arith.addi %iota3A_105, %add3A_110 : vector<16xi32>
      %gather3A_112 = tpu.vector_load_idx %arg7[%add3A_111, %shift_left3A_104] : memref<6272x16xf32, #tpu.memory_space<vmem>>[vector<16xi32>, vector<16xi32>], vector<16xf32>,
      %add3A_113 = arith.constant 1 : i32
      %add3A_114 = vector.broadcast %add3A_113 : i32 to vector<16xi32>
      %add3A_115 = arith.addi %shift_left3A_104, %add3A_114 : vector<16xi32>
      %gather3A_116 = tpu.vector_load_idx %arg7[%add3A_111, %add3A_115] : memref<6272x16xf32, #tpu.memory_space<vmem>>[vector<16xi32>, vector<16xi32>], vector<16xf32>,
      %shift_left3A_117 = arith.constant 1 : i32
      %shift_left3A_118 = vector.broadcast %shift_left3A_117 : i32 to vector<16xi32>
      %shift_left3A_119 = arith.shli %add3A_111, %shift_left3A_118 : vector<16xi32>
      %shift_right_logical3A_120 = arith.constant 7 : i32
      %shift_right_logical3A_121 = vector.broadcast %shift_right_logical3A_120 : i32 to vector<16xi32>
      %shift_right_logical3A_122 = arith.shrui %shift_left3A_119, %shift_right_logical3A_121 : vector<16xi32>
      %and3A_123 = arith.constant 127 : i32
      %and3A_124 = vector.broadcast %and3A_123 : i32 to vector<16xi32>
      %and3A_125 = arith.andi %shift_left3A_119, %and3A_124 : vector<16xi32>
      tpu.vector_store_idx %arg8[%shift_right_logical3A_122, %and3A_125], %gather3A_112 : memref<98x128xf32, #tpu.memory_space<vmem>>[vector<16xi32>, vector<16xi32>], vector<16xf32>,
      %add3A_126 = arith.constant 1 : i32
      %add3A_127 = vector.broadcast %add3A_126 : i32 to vector<16xi32>
      %add3A_128 = arith.addi %shift_left3A_119, %add3A_127 : vector<16xi32>
      %shift_right_logical3A_129 = arith.constant 7 : i32
      %shift_right_logical3A_130 = vector.broadcast %shift_right_logical3A_129 : i32 to vector<16xi32>
      %shift_right_logical3A_131 = arith.shrui %add3A_128, %shift_right_logical3A_130 : vector<16xi32>
      %and3A_132 = arith.constant 127 : i32
      %and3A_133 = vector.broadcast %and3A_132 : i32 to vector<16xi32>
      %and3A_134 = arith.andi %add3A_128, %and3A_133 : vector<16xi32>
      tpu.vector_store_idx %arg8[%shift_right_logical3A_131, %and3A_134], %gather3A_116 : memref<98x128xf32, #tpu.memory_space<vmem>>[vector<16xi32>, vector<16xi32>], vector<16xf32>,
      %get3A_135 = arith.index_cast %add3A_23 : i32 to index
      %get3A_136 = arith.constant 48 : index
      %get3A_137 = tpu.vector_load %arg5[%get3A_135, %get3A_136] {strides = array<i32>} : memref<49x128xi32, #tpu.memory_space<vmem>>, vector<16xi32>,
      %and3A_138 = arith.constant 7 : i32
      %and3A_139 = vector.broadcast %and3A_138 : i32 to vector<16xi32>
      %and3A_140 = arith.andi %get3A_137, %and3A_139 : vector<16xi32>
      %shift_left3A_141 = arith.constant 1 : i32
      %shift_left3A_142 = vector.broadcast %shift_left3A_141 : i32 to vector<16xi32>
      %shift_left3A_143 = arith.shli %and3A_140, %shift_left3A_142 : vector<16xi32>
      %iota3A_144 = tpu.iota {dimensions = array<i32: 0>} : vector<16xi32>
      %mul3A_145 = arith.constant 128 : i32
      %mul3A_146 = arith.muli %add3A_23, %mul3A_145 : i32
      %add3A_147 = arith.constant 48 : i32
      %add3A_148 = arith.addi %mul3A_146, %add3A_147 : i32
      %add3A_149 = vector.broadcast %add3A_148 : i32 to vector<16xi32>
      %add3A_150 = arith.addi %iota3A_144, %add3A_149 : vector<16xi32>
      %gather3A_151 = tpu.vector_load_idx %arg7[%add3A_150, %shift_left3A_143] : memref<6272x16xf32, #tpu.memory_space<vmem>>[vector<16xi32>, vector<16xi32>], vector<16xf32>,
      %add3A_152 = arith.constant 1 : i32
      %add3A_153 = vector.broadcast %add3A_152 : i32 to vector<16xi32>
      %add3A_154 = arith.addi %shift_left3A_143, %add3A_153 : vector<16xi32>
      %gather3A_155 = tpu.vector_load_idx %arg7[%add3A_150, %add3A_154] : memref<6272x16xf32, #tpu.memory_space<vmem>>[vector<16xi32>, vector<16xi32>], vector<16xf32>,
      %shift_left3A_156 = arith.constant 1 : i32
      %shift_left3A_157 = vector.broadcast %shift_left3A_156 : i32 to vector<16xi32>
      %shift_left3A_158 = arith.shli %add3A_150, %shift_left3A_157 : vector<16xi32>
      %shift_right_logical3A_159 = arith.constant 7 : i32
      %shift_right_logical3A_160 = vector.broadcast %shift_right_logical3A_159 : i32 to vector<16xi32>
      %shift_right_logical3A_161 = arith.shrui %shift_left3A_158, %shift_right_logical3A_160 : vector<16xi32>
      %and3A_162 = arith.constant 127 : i32
      %and3A_163 = vector.broadcast %and3A_162 : i32 to vector<16xi32>
      %and3A_164 = arith.andi %shift_left3A_158, %and3A_163 : vector<16xi32>
      tpu.vector_store_idx %arg8[%shift_right_logical3A_161, %and3A_164], %gather3A_151 : memref<98x128xf32, #tpu.memory_space<vmem>>[vector<16xi32>, vector<16xi32>], vector<16xf32>,
      %add3A_165 = arith.constant 1 : i32
      %add3A_166 = vector.broadcast %add3A_165 : i32 to vector<16xi32>
      %add3A_167 = arith.addi %shift_left3A_158, %add3A_166 : vector<16xi32>
      %shift_right_logical3A_168 = arith.constant 7 : i32
      %shift_right_logical3A_169 = vector.broadcast %shift_right_logical3A_168 : i32 to vector<16xi32>
      %shift_right_logical3A_170 = arith.shrui %add3A_167, %shift_right_logical3A_169 : vector<16xi32>
      %and3A_171 = arith.constant 127 : i32
      %and3A_172 = vector.broadcast %and3A_171 : i32 to vector<16xi32>
      %and3A_173 = arith.andi %add3A_167, %and3A_172 : vector<16xi32>
      tpu.vector_store_idx %arg8[%shift_right_logical3A_170, %and3A_173], %gather3A_155 : memref<98x128xf32, #tpu.memory_space<vmem>>[vector<16xi32>, vector<16xi32>], vector<16xf32>,
      %get3A_174 = arith.index_cast %add3A_23 : i32 to index
      %get3A_175 = arith.constant 64 : index
      %get3A_176 = tpu.vector_load %arg5[%get3A_174, %get3A_175] {strides = array<i32>} : memref<49x128xi32, #tpu.memory_space<vmem>>, vector<16xi32>,
      %and3A_177 = arith.constant 7 : i32
      %and3A_178 = vector.broadcast %and3A_177 : i32 to vector<16xi32>
      %and3A_179 = arith.andi %get3A_176, %and3A_178 : vector<16xi32>
      %shift_left3A_180 = arith.constant 1 : i32
      %shift_left3A_181 = vector.broadcast %shift_left3A_180 : i32 to vector<16xi32>
      %shift_left3A_182 = arith.shli %and3A_179, %shift_left3A_181 : vector<16xi32>
      %iota3A_183 = tpu.iota {dimensions = array<i32: 0>} : vector<16xi32>
      %mul3A_184 = arith.constant 128 : i32
      %mul3A_185 = arith.muli %add3A_23, %mul3A_184 : i32
      %add3A_186 = arith.constant 64 : i32
      %add3A_187 = arith.addi %mul3A_185, %add3A_186 : i32
      %add3A_188 = vector.broadcast %add3A_187 : i32 to vector<16xi32>
      %add3A_189 = arith.addi %iota3A_183, %add3A_188 : vector<16xi32>
      %gather3A_190 = tpu.vector_load_idx %arg7[%add3A_189, %shift_left3A_182] : memref<6272x16xf32, #tpu.memory_space<vmem>>[vector<16xi32>, vector<16xi32>], vector<16xf32>,
      %add3A_191 = arith.constant 1 : i32
      %add3A_192 = vector.broadcast %add3A_191 : i32 to vector<16xi32>
      %add3A_193 = arith.addi %shift_left3A_182, %add3A_192 : vector<16xi32>
      %gather3A_194 = tpu.vector_load_idx %arg7[%add3A_189, %add3A_193] : memref<6272x16xf32, #tpu.memory_space<vmem>>[vector<16xi32>, vector<16xi32>], vector<16xf32>,
      %shift_left3A_195 = arith.constant 1 : i32
      %shift_left3A_196 = vector.broadcast %shift_left3A_195 : i32 to vector<16xi32>
      %shift_left3A_197 = arith.shli %add3A_189, %shift_left3A_196 : vector<16xi32>
      %shift_right_logical3A_198 = arith.constant 7 : i32
      %shift_right_logical3A_199 = vector.broadcast %shift_right_logical3A_198 : i32 to vector<16xi32>
      %shift_right_logical3A_200 = arith.shrui %shift_left3A_197, %shift_right_logical3A_199 : vector<16xi32>
      %and3A_201 = arith.constant 127 : i32
      %and3A_202 = vector.broadcast %and3A_201 : i32 to vector<16xi32>
      %and3A_203 = arith.andi %shift_left3A_197, %and3A_202 : vector<16xi32>
      tpu.vector_store_idx %arg8[%shift_right_logical3A_200, %and3A_203], %gather3A_190 : memref<98x128xf32, #tpu.memory_space<vmem>>[vector<16xi32>, vector<16xi32>], vector<16xf32>,
      %add3A_204 = arith.constant 1 : i32
      %add3A_205 = vector.broadcast %add3A_204 : i32 to vector<16xi32>
      %add3A_206 = arith.addi %shift_left3A_197, %add3A_205 : vector<16xi32>
      %shift_right_logical3A_207 = arith.constant 7 : i32
      %shift_right_logical3A_208 = vector.broadcast %shift_right_logical3A_207 : i32 to vector<16xi32>
      %shift_right_logical3A_209 = arith.shrui %add3A_206, %shift_right_logical3A_208 : vector<16xi32>
      %and3A_210 = arith.constant 127 : i32
      %and3A_211 = vector.broadcast %and3A_210 : i32 to vector<16xi32>
      %and3A_212 = arith.andi %add3A_206, %and3A_211 : vector<16xi32>
      tpu.vector_store_idx %arg8[%shift_right_logical3A_209, %and3A_212], %gather3A_194 : memref<98x128xf32, #tpu.memory_space<vmem>>[vector<16xi32>, vector<16xi32>], vector<16xf32>,
      %get3A_213 = arith.index_cast %add3A_23 : i32 to index
      %get3A_214 = arith.constant 80 : index
      %get3A_215 = tpu.vector_load %arg5[%get3A_213, %get3A_214] {strides = array<i32>} : memref<49x128xi32, #tpu.memory_space<vmem>>, vector<16xi32>,
      %and3A_216 = arith.constant 7 : i32
      %and3A_217 = vector.broadcast %and3A_216 : i32 to vector<16xi32>
      %and3A_218 = arith.andi %get3A_215, %and3A_217 : vector<16xi32>
      %shift_left3A_219 = arith.constant 1 : i32
      %shift_left3A_220 = vector.broadcast %shift_left3A_219 : i32 to vector<16xi32>
      %shift_left3A_221 = arith.shli %and3A_218, %shift_left3A_220 : vector<16xi32>
      %iota3A_222 = tpu.iota {dimensions = array<i32: 0>} : vector<16xi32>
      %mul3A_223 = arith.constant 128 : i32
      %mul3A_224 = arith.muli %add3A_23, %mul3A_223 : i32
      %add3A_225 = arith.constant 80 : i32
      %add3A_226 = arith.addi %mul3A_224, %add3A_225 : i32
      %add3A_227 = vector.broadcast %add3A_226 : i32 to vector<16xi32>
      %add3A_228 = arith.addi %iota3A_222, %add3A_227 : vector<16xi32>
      %gather3A_229 = tpu.vector_load_idx %arg7[%add3A_228, %shift_left3A_221] : memref<6272x16xf32, #tpu.memory_space<vmem>>[vector<16xi32>, vector<16xi32>], vector<16xf32>,
      %add3A_230 = arith.constant 1 : i32
      %add3A_231 = vector.broadcast %add3A_230 : i32 to vector<16xi32>
      %add3A_232 = arith.addi %shift_left3A_221, %add3A_231 : vector<16xi32>
      %gather3A_233 = tpu.vector_load_idx %arg7[%add3A_228, %add3A_232] : memref<6272x16xf32, #tpu.memory_space<vmem>>[vector<16xi32>, vector<16xi32>], vector<16xf32>,
      %shift_left3A_234 = arith.constant 1 : i32
      %shift_left3A_235 = vector.broadcast %shift_left3A_234 : i32 to vector<16xi32>
      %shift_left3A_236 = arith.shli %add3A_228, %shift_left3A_235 : vector<16xi32>
      %shift_right_logical3A_237 = arith.constant 7 : i32
      %shift_right_logical3A_238 = vector.broadcast %shift_right_logical3A_237 : i32 to vector<16xi32>
      %shift_right_logical3A_239 = arith.shrui %shift_left3A_236, %shift_right_logical3A_238 : vector<16xi32>
      %and3A_240 = arith.constant 127 : i32
      %and3A_241 = vector.broadcast %and3A_240 : i32 to vector<16xi32>
      %and3A_242 = arith.andi %shift_left3A_236, %and3A_241 : vector<16xi32>
      tpu.vector_store_idx %arg8[%shift_right_logical3A_239, %and3A_242], %gather3A_229 : memref<98x128xf32, #tpu.memory_space<vmem>>[vector<16xi32>, vector<16xi32>], vector<16xf32>,
      %add3A_243 = arith.constant 1 : i32
      %add3A_244 = vector.broadcast %add3A_243 : i32 to vector<16xi32>
      %add3A_245 = arith.addi %shift_left3A_236, %add3A_244 : vector<16xi32>
      %shift_right_logical3A_246 = arith.constant 7 : i32
      %shift_right_logical3A_247 = vector.broadcast %shift_right_logical3A_246 : i32 to vector<16xi32>
      %shift_right_logical3A_248 = arith.shrui %add3A_245, %shift_right_logical3A_247 : vector<16xi32>
      %and3A_249 = arith.constant 127 : i32
      %and3A_250 = vector.broadcast %and3A_249 : i32 to vector<16xi32>
      %and3A_251 = arith.andi %add3A_245, %and3A_250 : vector<16xi32>
      tpu.vector_store_idx %arg8[%shift_right_logical3A_248, %and3A_251], %gather3A_233 : memref<98x128xf32, #tpu.memory_space<vmem>>[vector<16xi32>, vector<16xi32>], vector<16xf32>,
      %get3A_252 = arith.index_cast %add3A_23 : i32 to index
      %get3A_253 = arith.constant 96 : index
      %get3A_254 = tpu.vector_load %arg5[%get3A_252, %get3A_253] {strides = array<i32>} : memref<49x128xi32, #tpu.memory_space<vmem>>, vector<16xi32>,
      %and3A_255 = arith.constant 7 : i32
      %and3A_256 = vector.broadcast %and3A_255 : i32 to vector<16xi32>
      %and3A_257 = arith.andi %get3A_254, %and3A_256 : vector<16xi32>
      %shift_left3A_258 = arith.constant 1 : i32
      %shift_left3A_259 = vector.broadcast %shift_left3A_258 : i32 to vector<16xi32>
      %shift_left3A_260 = arith.shli %and3A_257, %shift_left3A_259 : vector<16xi32>
      %iota3A_261 = tpu.iota {dimensions = array<i32: 0>} : vector<16xi32>
      %mul3A_262 = arith.constant 128 : i32
      %mul3A_263 = arith.muli %add3A_23, %mul3A_262 : i32
      %add3A_264 = arith.constant 96 : i32
      %add3A_265 = arith.addi %mul3A_263, %add3A_264 : i32
      %add3A_266 = vector.broadcast %add3A_265 : i32 to vector<16xi32>
      %add3A_267 = arith.addi %iota3A_261, %add3A_266 : vector<16xi32>
      %gather3A_268 = tpu.vector_load_idx %arg7[%add3A_267, %shift_left3A_260] : memref<6272x16xf32, #tpu.memory_space<vmem>>[vector<16xi32>, vector<16xi32>], vector<16xf32>,
      %add3A_269 = arith.constant 1 : i32
      %add3A_270 = vector.broadcast %add3A_269 : i32 to vector<16xi32>
      %add3A_271 = arith.addi %shift_left3A_260, %add3A_270 : vector<16xi32>
      %gather3A_272 = tpu.vector_load_idx %arg7[%add3A_267, %add3A_271] : memref<6272x16xf32, #tpu.memory_space<vmem>>[vector<16xi32>, vector<16xi32>], vector<16xf32>,
      %shift_left3A_273 = arith.constant 1 : i32
      %shift_left3A_274 = vector.broadcast %shift_left3A_273 : i32 to vector<16xi32>
      %shift_left3A_275 = arith.shli %add3A_267, %shift_left3A_274 : vector<16xi32>
      %shift_right_logical3A_276 = arith.constant 7 : i32
      %shift_right_logical3A_277 = vector.broadcast %shift_right_logical3A_276 : i32 to vector<16xi32>
      %shift_right_logical3A_278 = arith.shrui %shift_left3A_275, %shift_right_logical3A_277 : vector<16xi32>
      %and3A_279 = arith.constant 127 : i32
      %and3A_280 = vector.broadcast %and3A_279 : i32 to vector<16xi32>
      %and3A_281 = arith.andi %shift_left3A_275, %and3A_280 : vector<16xi32>
      tpu.vector_store_idx %arg8[%shift_right_logical3A_278, %and3A_281], %gather3A_268 : memref<98x128xf32, #tpu.memory_space<vmem>>[vector<16xi32>, vector<16xi32>], vector<16xf32>,
      %add3A_282 = arith.constant 1 : i32
      %add3A_283 = vector.broadcast %add3A_282 : i32 to vector<16xi32>
      %add3A_284 = arith.addi %shift_left3A_275, %add3A_283 : vector<16xi32>
      %shift_right_logical3A_285 = arith.constant 7 : i32
      %shift_right_logical3A_286 = vector.broadcast %shift_right_logical3A_285 : i32 to vector<16xi32>
      %shift_right_logical3A_287 = arith.shrui %add3A_284, %shift_right_logical3A_286 : vector<16xi32>
      %and3A_288 = arith.constant 127 : i32
      %and3A_289 = vector.broadcast %and3A_288 : i32 to vector<16xi32>
      %and3A_290 = arith.andi %add3A_284, %and3A_289 : vector<16xi32>
      tpu.vector_store_idx %arg8[%shift_right_logical3A_287, %and3A_290], %gather3A_272 : memref<98x128xf32, #tpu.memory_space<vmem>>[vector<16xi32>, vector<16xi32>], vector<16xf32>,
      %get3A_291 = arith.index_cast %add3A_23 : i32 to index
      %get3A_292 = arith.constant 112 : index
      %get3A_293 = tpu.vector_load %arg5[%get3A_291, %get3A_292] {strides = array<i32>} : memref<49x128xi32, #tpu.memory_space<vmem>>, vector<16xi32>,
      %and3A_294 = arith.constant 7 : i32
      %and3A_295 = vector.broadcast %and3A_294 : i32 to vector<16xi32>
      %and3A_296 = arith.andi %get3A_293, %and3A_295 : vector<16xi32>
      %shift_left3A_297 = arith.constant 1 : i32
      %shift_left3A_298 = vector.broadcast %shift_left3A_297 : i32 to vector<16xi32>
      %shift_left3A_299 = arith.shli %and3A_296, %shift_left3A_298 : vector<16xi32>
      %iota3A_300 = tpu.iota {dimensions = array<i32: 0>} : vector<16xi32>
      %mul3A_301 = arith.constant 128 : i32
      %mul3A_302 = arith.muli %add3A_23, %mul3A_301 : i32
      %add3A_303 = arith.constant 112 : i32
      %add3A_304 = arith.addi %mul3A_302, %add3A_303 : i32
      %add3A_305 = vector.broadcast %add3A_304 : i32 to vector<16xi32>
      %add3A_306 = arith.addi %iota3A_300, %add3A_305 : vector<16xi32>
      %gather3A_307 = tpu.vector_load_idx %arg7[%add3A_306, %shift_left3A_299] : memref<6272x16xf32, #tpu.memory_space<vmem>>[vector<16xi32>, vector<16xi32>], vector<16xf32>,
      %add3A_308 = arith.constant 1 : i32
      %add3A_309 = vector.broadcast %add3A_308 : i32 to vector<16xi32>
      %add3A_310 = arith.addi %shift_left3A_299, %add3A_309 : vector<16xi32>
      %gather3A_311 = tpu.vector_load_idx %arg7[%add3A_306, %add3A_310] : memref<6272x16xf32, #tpu.memory_space<vmem>>[vector<16xi32>, vector<16xi32>], vector<16xf32>,
      %shift_left3A_312 = arith.constant 1 : i32
      %shift_left3A_313 = vector.broadcast %shift_left3A_312 : i32 to vector<16xi32>
      %shift_left3A_314 = arith.shli %add3A_306, %shift_left3A_313 : vector<16xi32>
      %shift_right_logical3A_315 = arith.constant 7 : i32
      %shift_right_logical3A_316 = vector.broadcast %shift_right_logical3A_315 : i32 to vector<16xi32>
      %shift_right_logical3A_317 = arith.shrui %shift_left3A_314, %shift_right_logical3A_316 : vector<16xi32>
      %and3A_318 = arith.constant 127 : i32
      %and3A_319 = vector.broadcast %and3A_318 : i32 to vector<16xi32>
      %and3A_320 = arith.andi %shift_left3A_314, %and3A_319 : vector<16xi32>
      tpu.vector_store_idx %arg8[%shift_right_logical3A_317, %and3A_320], %gather3A_307 : memref<98x128xf32, #tpu.memory_space<vmem>>[vector<16xi32>, vector<16xi32>], vector<16xf32>,
      %add3A_321 = arith.constant 1 : i32
      %add3A_322 = vector.broadcast %add3A_321 : i32 to vector<16xi32>
      %add3A_323 = arith.addi %shift_left3A_314, %add3A_322 : vector<16xi32>
      %shift_right_logical3A_324 = arith.constant 7 : i32
      %shift_right_logical3A_325 = vector.broadcast %shift_right_logical3A_324 : i32 to vector<16xi32>
      %shift_right_logical3A_326 = arith.shrui %add3A_323, %shift_right_logical3A_325 : vector<16xi32>
      %and3A_327 = arith.constant 127 : i32
      %and3A_328 = vector.broadcast %and3A_327 : i32 to vector<16xi32>
      %and3A_329 = arith.andi %add3A_323, %and3A_328 : vector<16xi32>
      tpu.vector_store_idx %arg8[%shift_right_logical3A_326, %and3A_329], %gather3A_311 : memref<98x128xf32, #tpu.memory_space<vmem>>[vector<16xi32>, vector<16xi32>], vector<16xf32>,
    }
    %scan3A_16 = arith.constant 49 : i32
    %mul3A_17 = arith.constant 104 : i32
    %mul3A_18 = arith.muli %add3A, %mul3A_17 : i32
    "tpu.region"() ({
      %run_scoped3A = tpu.sem_alloc : memref<!tpu.dma_semaphore, #tpu.memory_space<semaphore_mem>>
      %dma_start3A = arith.constant 0 : i32
      %dma_start3A_19 = tpu.memref_slice %arg4[%mul3A_18, %dma_start3A] : memref<3328x128xf32, #tpu.memory_space<hbm>> -> memref<98x128xf32, #tpu.memory_space<hbm>>
      %dma_start3A_20 = arith.constant 0 : i32
      %dma_start3A_21 = tpu.memref_slice %arg4[%mul3A_18, %dma_start3A_20] : memref<3328x128xf32, #tpu.memory_space<hbm>> -> memref<98x128xf32, #tpu.memory_space<hbm>>
      tpu.enqueue_dma source(%arg8 : memref<98x128xf32, #tpu.memory_space<vmem>>) target(%dma_start3A_21 : memref<98x128xf32, #tpu.memory_space<hbm>>) target_semaphore(%run_scoped3A : memref<!tpu.dma_semaphore, #tpu.memory_space<semaphore_mem>>)
      %dma_wait3A_22 = arith.constant 0 : i32
      %dma_wait3A_23 = tpu.memref_slice %arg4[%mul3A_18, %dma_wait3A_22] : memref<3328x128xf32, #tpu.memory_space<hbm>> -> memref<98x128xf32, #tpu.memory_space<hbm>>
      %dma_wait3A_24 = arith.constant 0 : i32
      %dma_wait3A_25 = tpu.memref_slice %arg4[%mul3A_18, %dma_wait3A_24] : memref<3328x128xf32, #tpu.memory_space<hbm>> -> memref<98x128xf32, #tpu.memory_space<hbm>>
      tpu.wait_dma2 semaphore(%run_scoped3A : memref<!tpu.dma_semaphore, #tpu.memory_space<semaphore_mem>>) src(%arg8 : memref<98x128xf32, #tpu.memory_space<vmem>>) dst(%dma_wait3A_25 : memref<98x128xf32, #tpu.memory_space<hbm>>)
      tpu.yield
    }) : () -> ()
    return
  }
}

</mosaic_0001>

<sc_bundles>
// kernel: kernel.4.cloned.1.call-start
scs
__scs_entry_jumppad:
0x0: {  	(pc) =	sbr.rel $0x88, $3  }
0x1: {  	(tag) =	ssettag $0x0;
	lr =	simm.s32 $0x1  }
0x2: {  	[smem:$0x3F9F] =	sst lr;
	_ =	strace $0xD0000000  }
0x3: {  	_ = 	snop  }
0x4: {  	_ = 	snop  }
0x5: {  	_ = 	snop  }
0x6: {  	_ = 	snop  }
0x7: {  	_ = 	snop  }
__scs_overlays_trampoline_lowered:
0x8: {  	[smem:$0x3FAE] =	sst s0  }
0x9: {  	[smem:$0x3FAF] =	sst s1  }
0xa: {  	[smem:$0x3FB0] =	sst s2  }
0xb: {  	[smem:$0x3FB1] =	sst s3  }
0xc: {  	[smem:$0x3FB2] =	sst s4  }
0xd: {  	[smem:$0x3FB3] =	sst s5  }
0xe: {  	[smem:$0x3FB4] =	sst s6  }
0xf: {  	[smem:$0x3FB5] =	sst s7  }
0x10: {  	[smem:$0x3FB6] =	sst s8  }
0x11: {  	[smem:$0x3FB7] =	sst s9;
	s0 =	simm.s32 @!p0 $0x0  }
0x12: {  	s1 =	sld [smem:$0x3F9D];
	s0 =	simm.s32 @p0 $0x1  }
0x13: {  	[smem:$0x3FB8] =	sst s0;
	s0 =	simm.s32 @!p1 $0x0  }
0x14: {  	s2 =	sld [smem:$0x3F9C];
	s0 =	simm.s32 @p1 $0x1  }
0x15: {  	[smem:$0x3FB9] =	sst s0;
	s0 =	simm.s32 @!p2 $0x0  }
0x16: {  	s3 =	sld [smem:$0x3FDB];
	s0 =	simm.s32 @p2 $0x1  }
0x17: {  	s4 =	simm.s32 $0x1BF5;
	[smem:$0x3FBB] =	sst s0  }
0x18: {  	s0 =	sld [smem:$0x3F9E];
	_ =	swait.ge [sflag:s4], $0x0  }
0x19: {  	s7 =	sld [smem:$0x3F9F]  }
0x1a: {  	s8 =	sadd.s32 $0xFFFFE003, lr  }
0x1b: {  	s9 =	sadd.s32 $0xFFFFFEF7, lr;
	s5 =	simm.s32 $0xFFFFFFFF;
	p2 =	slt.u32 s8, $0xFFFFF086  }
0x1c: {  	p1 =	slt.u32 s9, $0xF7A;
	s5 =	simm.s32 @!p2 $0x0  }
0x1d: {  	s5 =	simm.s32 @p1 $0x1;
	p0 =	seq.s32 s7, s2  }
0x1e: {  	s7 =	smul.u32 @!p0 $0xF7A, s2;
	p2 =	seq.s32 @!p0 s5, $0x0  }
0x1f: {  	s9 =	smul.u32 $0xF7A, s1;
	s8 =	simm.s32 @!p0 $0x1BF5;
	p2 =	por !p2, p0  }
0x20: {  	[sflag:s8] =	ssyncset.s32 @!p0 $0xFFFFF086;
	s6 =	sadd.s32 @!p0 s3, s7;
	s7 =	simm.s32 @!p0 $0x108  }
0x21: {  	s3 =	sadd.s32 s3, s9;
	s6 =	sadd.s32 @!p0 $0x88, s6;
	s7 =	simm.s32 @p2 $0x1082  }
0x22: {  	[simem:s7], [sflag:s8] =	dma.local @!p0 [hbm:s6], $0xF7A  }
0x23: {  	s9 =	sor.u32 $0xD0000000, s2;
	s6 =	simm.s32 $0x108;
	_ =	swait.ge @!p0 [sflag:s8], $0x0  }
0x24: {  	s3 =	sadd.s32 $0x88, s3;
	s6 =	simm.s32 @!p1 $0x1082;
	[sflag:s4] =	ssyncset.s32 $0xFFFFF086  }
0x25: {  	[simem:s6], [sflag:s4] =	dma.local [hbm:s3], $0xF7A  }
0x26: {  	[smem:$0x3F9F] =	sst s1;
	(tag) =	ssettag s2;
	_ =	strace s9  }
0x27: {  	s1 =	sld [smem:$0x3FAF]  }
0x28: {  	s2 =	sld [smem:$0x3FB0]  }
0x29: {  	s4 =	sld [smem:$0x3FB2]  }
0x2a: {  	p0 =	seq.s32 s5, $0x0;
	s5 =	sld [smem:$0x3FB3]  }
0x2b: {  	s6 =	sld [smem:$0x3FB4]  }
0x2c: {  	s7 =	sld [smem:$0x3FB5]  }
0x2d: {  	s3 =	simm.s32 $0x108;
	s8 =	sld [smem:$0x3FB6]  }
0x2e: {  	s3 =	simm.s32 @!p0 $0x1082;
	s9 =	sld [smem:$0x3FB7]  }
0x2f: {  	lr =	sadd.s32 s0, s3;
	s0 =	sld [smem:$0x3FAE]  }
0x30: {  	s3 =	sld [smem:$0x3FB1]  }
0x31: {  	[smem:$0x3FBA] =	sst s10  }
0x32: {  	s10 =	sld [smem:$0x3FB8];
	_ =	sdelay $0x3  }
0x33: {  	p0 =	seq.s32 s10, $0x1;
	s10 =	sld [smem:$0x3FBA];
	_ =	sdelay $0x3  }
0x34: {  	[smem:$0x3FBA] =	sst s10  }
0x35: {  	s10 =	sld [smem:$0x3FB9];
	_ =	sdelay $0x3  }
0x36: {  	p1 =	seq.s32 s10, $0x1;
	s10 =	sld [smem:$0x3FBA];
	_ =	sdelay $0x3  }
0x37: {  	[smem:$0x3FBA] =	sst s10  }
0x38: {  	s10 =	sld [smem:$0x3FBB]  }
0x39: {  	_ = 	snop;
	(pc) =	sbr.ind lr, $3  }
0x3a: {  	_ = 	snop  }
0x3b: {  	_ = 	snop  }
0x3c: {  	p2 =	seq.s32 s10, $0x1;
	s10 =	sld [smem:$0x3FBA]  }
0x3d: {  	_ =	shalt  }
0x3e: {  	_ =	shalt  }
0x3f: {  	_ =	shalt  }
0x40: {  	_ =	shalt  }
0x41: {  	_ =	shalt  }
0x42: {  	_ =	shalt  }
0x43: {  	_ =	shalt  }
0x44: {  	_ =	shalt  }
0x45: {  	_ =	shalt  }
0x46: {  	_ =	shalt  }
0x47: {  	_ =	shalt  }
0x48: {  	_ =	shalt  }
0x49: {  	_ =	shalt  }
0x4a: {  	_ =	shalt  }
0x4b: {  	_ =	shalt  }
0x4c: {  	_ =	shalt  }
0x4d: {  	_ =	shalt  }
0x4e: {  	_ =	shalt  }
0x4f: {  	_ =	shalt  }
0x50: {  	_ =	shalt  }
0x51: {  	_ =	shalt  }
0x52: {  	_ =	shalt  }
0x53: {  	_ =	shalt  }
0x54: {  	_ =	shalt  }
0x55: {  	_ =	shalt  }
0x56: {  	_ =	shalt  }
0x57: {  	_ =	shalt  }
0x58: {  	_ =	shalt  }
0x59: {  	_ =	shalt  }
0x5a: {  	_ =	shalt  }
0x5b: {  	_ =	shalt  }
0x5c: {  	_ =	shalt  }
0x5d: {  	_ =	shalt  }
0x5e: {  	_ =	shalt  }
0x5f: {  	_ =	shalt  }
0x60: {  	_ =	shalt  }
0x61: {  	_ =	shalt  }
0x62: {  	_ =	shalt  }
0x63: {  	_ =	shalt  }
0x64: {  	_ =	shalt  }
0x65: {  	_ =	shalt  }
0x66: {  	_ =	shalt  }
0x67: {  	_ =	shalt  }
0x68: {  	_ =	shalt  }
0x69: {  	_ =	shalt  }
0x6a: {  	_ =	shalt  }
0x6b: {  	_ =	shalt  }
0x6c: {  	_ =	shalt  }
0x6d: {  	_ =	shalt  }
0x6e: {  	_ =	shalt  }
0x6f: {  	_ =	shalt  }
0x70: {  	_ =	shalt  }
0x71: {  	_ =	shalt  }
0x72: {  	_ =	shalt  }
0x73: {  	_ =	shalt  }
0x74: {  	_ =	shalt  }
0x75: {  	_ =	shalt  }
0x76: {  	_ =	shalt  }
0x77: {  	_ =	shalt  }
0x78: {  	_ =	shalt  }
0x79: {  	_ =	shalt  }
0x7a: {  	_ =	shalt  }
0x7b: {  	_ =	shalt  }
0x7c: {  	_ =	shalt  }
0x7d: {  	_ =	shalt  }
0x7e: {  	_ =	shalt  }
0x7f: {  	_ =	shalt  }
0x80: {  	_ =	shalt  }
0x81: {  	_ =	shalt  }
0x82: {  	_ =	shalt  }
0x83: {  	_ =	shalt  }
0x84: {  	_ =	shalt  }
0x85: {  	_ =	shalt  }
0x86: {  	_ =	shalt  }
0x87: {  	_ =	shalt  }
.Lfunc_end0:
.L_simem_size_0:
called_computation_lowered:
.L_overlay_start_0:
0x88: {  	s2 =	sld [smem:$0x3FD9]  }
0x89: {  	s3 =	sld [smem:$0x3FFE];
	_ =	sdelay $0x1  }
0x8a: {  	s1 =	srdreg.scid  }
0x8b: {  	s0 =	sand.u32 $0x1, s1  }
0x8c: {  	s17 =	sshll.u32 s0, $0xA;
	s2 =	sadd.s32 s3, s2  }
0x8d: {  	s2 =	sadd.s32 s2, s17  }
0x8e: {  	[smem:$0x3FC6] =	sst s2  }
0x8f: {  	_ = 	snop  }
0x90: {  	s2 =	sld [smem:$0x3FC8]  }
0x91: {  	s18 =	sld [smem:$0x3FD0];
	(tm) =	ssettm $0x1  }
0x92: {  	s4 =	sld [smem:$0x3FFB];
	_ =	sdelay $0x3  }
0x93: {  	_ =	strace s4  }
0x94: {  	s4 =	sld [smem:$0x3FFC];
	_ =	sdelay $0x3  }
0x95: {  	_ =	strace s4  }
0x96: {  	s4 =	sld [smem:$0x3FFD];
	_ =	sdelay $0x3  }
0x97: {  	_ =	strace s4  }
0x98: {  	_ =	strace $0x8FFFFFFF  }
0x99: {  	s19 =	sld [smem:$0x3FDB];
	_ =	sdelay $0x1  }
0x9a: {  	s5 =	simm.s32 $_scs_section_size  }
0x9b: {  	s6 =	simm.s32 $_size__tile_overlayer_lowered;
	s7 =	simm.s32 $_tile_overlayer_lowered  }
0x9c: {  	s22 =	simm.s32 $0x1BFF;
	s21 =	sshll.u32 s7, $0x1;
	s4 =	sadd.s32 s5, s19  }
0x9d: {  	s8 =	simm.s32 $0x0;
	s20 =	sshll.u32 s6, $0x1;
	s6 =	sadd.s32 s21, s4  }
0x9e: {  	[timem:s8], [sflag:s22] =	dma.local [hbm:s6], s20  }
0x9f: {  	_ =	swait.ge [sflag:s22], s20  }
0xa0: {  	s5 =	ssub.s32 $0x0, s20;
	[sflag:s22] =	ssyncset.done $0x0  }
0xa1: {  	[sflag:s22] =	ssyncadd.s32 s5;
	_ =	sdelay $0x1  }
0xa2: {  	s23 =	simm.s32 $0x1B8B  }
0xa3: {  	_ =	swait.ge [sflag:s23], $0x1  }
0xa4: {  	[sflag:s23] =	ssyncset.done $0x0  }
0xa5: {  	s25 =	simm.s32 $0x1B8E;
	s24 =	sld [smem:$0x3FFE];
	[sflag:s23] =	ssyncadd.s32 $0xFFFFFFFF  }
0xa6: {  	s26 =	simm.s32 $execute0_lowered;
	[smem:$0x3FD2] =	sst s25  }
0xa7: {  	s6 =	sshll.u32 s26, $0x1;
	_ =	strace $0x80000046;
	[dreg:$0x1] =	wrdreg $0xFFFFFFFF  }
0xa8: {  	s28 =	simm.s32 $_size_execute0_lowered;
	s4 =	sadd.s32 s4, s6;
	[dreg:$0x0] =	wrdreg $0x0  }
0xa9: {  	s6 =	sshll.u32 s28, $0x1;
	[dreg:$0x2] =	wrdreg s4  }
0xaa: {  	[dreg:$0x3] =	wrdreg s6  }
0xab: {  	[dreg:$0x4] =	wrdreg $0xC0  }
0xac: {  	_ =	task [dreg:s8], $0x5FFFF  }
0xad: {  	[dreg:$0x1] =	wrdreg $0xFFFFFFFF  }
0xae: {  	[dreg:$0x0] =	wrdreg $0x60  }
0xaf: {  	[dreg:$0x2] =	wrdreg s18  }
0xb0: {  	[dreg:$0x3] =	wrdreg s2  }
0xb1: {  	[dreg:$0x4] =	wrdreg s24  }
0xb2: {  	[dreg:$0x5] =	wrdreg $0x9  }
0xb3: {  	_ =	task.clear_ibuf [dreg:s8], $0x6FFFF;
	_ =	strace $0x90000046  }
0xb4: {  	s29 =	simm.s32 $0x9;
	_ =	strace $0x80000048  }
0xb5: {  	_ =	swait.ge [sflag:s29], $0x1  }
0xb6: {  	[sflag:s29] =	ssyncadd.s32 $0xFFFFFFFF  }
0xb7: {  	_ =	strace $0x90000048  }
0xb8: {  	_ =	sfence  }
0xb9: {  	s30 =	sld [smem:$0x0];
	_ =	sdelay $0x2  }
0xba: {  	s31 =	sshll.u32 s1, $0xD;
	s1 =	sshrl.u32 s1, $0x2  }
0xbb: {  	s3 =	sand.u32 $0x4000, s31;
	s1 =	sadd.s32 s1, s30  }
0xbc: {  	s0 =	sor.u32 s3, s0;
	s1 =	sshll.u32 s1, $0x11  }
0xbd: {  	s0 =	sor.u32 s1, s0  }
0xbe: {  	s0 =	sadd.s32 $0x8F2B, s0  }
0xbf: {  	[sflag:s0] =	ssyncadd.remote.s32 $0x1  }
0xc0: {  	_ =	sfence.sel $0xFFFF  }
0xc1: {  	[dreg:$0x0] =	wrdreg $0xFFFFFFFF;
	(pc) =	sbr.abs _section_cstart, $3  }
0xc2: {  	[dreg:$0x1] =	wrdreg $0xFFFFFFFF  }
0xc3: {  	_ =	task.clear_ibuf [dreg:s8], $0x2FFFF;
	_ =	strace $0x9FFFFFFF  }
0xc4: {  	(tm) =	ssettm $0x7FFFFFFF  }
0xc5: {  	_ =	shalt  }
tec
execute0_lowered:
.L_overlay_start_1:
0x0: {  	(tag) =	ssettag $0x1  }
0x1: {  	s1 =	rddreg [dreg:$0x0]  }
0x2: {  	s4 =	rddreg [dreg:$0x1];
	s2 =	srdreg.scid  }
0x3: {  	s0 =	stileid.u32;
	s5 =	rddreg [dreg:$0x2];
	s10 =	simm.s32 $0x3100  }
0x4: {  	s11 =	simm.s32 $0x1B900;
	s6 =	sand.u32 $0x1, s2;
	s3 =	sshll.u32 s0, $0x1  }
0x5: {  	s12 =	simm.s32 $0x0;
	s2 =	rddreg [dreg:$0x3];
	s7 =	sor.u32 s6, s3  }
0x6: {  	s3 =	simm.s32 $0x0;
	s6 =	ssub.s32 $0x2, s6;
	s8 =	smul.u32 $0x680, s7  }
0x7: {  	[smem:$0x7FF] =	sst s3;
	s9 =	sshrl.u32 s6, $0x1;
	s7 =	smul.u32 $0x310, s7  }
0x8: {  	_ =	strace $0x80000047;
	s6 =	ssub.s32 s6, s9;
	s9 =	simm.s32 $0x1  }
0x9: {  	s5 =	sadd.s32 s8, s5;
	s4 =	sadd.s32 s4, s7;
	s6 =	smax.u32 s6, $0x1  }
0xa: {  	v0 =	vlaneseq.u32;
	s7 =	simm.s32 $0x2;
	s8 =	simm.s32 $0x80;
	s5 =	sadd.s32 $0x800, s5  }
.LBB2_1:
0xb: {  	[tilespmem:s3], [sflag:$0x2] =	stream.linear.gather [hbm4b:s4+s3], $0x1880, $0x38;
	[tilespmem:$0x1EA00] =	vst v63  }
0xc: {  	_ =	swait.ge [sflag:s7], $0x1880  }
0xd: {  	[sflag:s7] =	ssyncset.done $0x0  }
0xe: {  	s14 =	simm.s32 $0x0;
	[sflag:s7] =	ssyncadd.s32 $0xFFFFE780  }
0xf: {  	v1 =	vld [tilespmem:s14+$0x0]  }
0x10: {  	v2 =	vld [tilespmem:s14+$0x10]  }
0x11: {  	v3 =	vld [tilespmem:s14+$0x20]  }
0x12: {  	v4 =	vld [tilespmem:s14+$0x30]  }
0x13: {  	v5 =	vld [tilespmem:s14+$0x40]  }
0x14: {  	v6 =	vld [tilespmem:s14+$0x50];
	v1 =	vshrl.u32 v1, $0x3  }
0x15: {  	[tilespmem:s14+$0x1880] =	vst v1;
	v1 =	vshrl.u32 v2, $0x3;
	v2 =	vld [tilespmem:s14+$0x60]  }
0x16: {  	[tilespmem:s14+$0x1890] =	vst v1;
	v1 =	vshrl.u32 v3, $0x3;
	v3 =	vld [tilespmem:s14+$0x70]  }
0x17: {  	[tilespmem:s14+$0x18A0] =	vst v1;
	v1 =	vshrl.u32 v4, $0x3  }
0x18: {  	[tilespmem:s14+$0x18B0] =	vst v1;
	v1 =	vshrl.u32 v5, $0x3  }
0x19: {  	[tilespmem:s14+$0x18C0] =	vst v1;
	v1 =	vshrl.u32 v6, $0x3  }
0x1a: {  	[tilespmem:s14+$0x18D0] =	vst v1;
	v1 =	vshrl.u32 v2, $0x3  }
0x1b: {  	[tilespmem:s14+$0x18E0] =	vst v1;
	v1 =	vshrl.u32 v3, $0x3  }
0x1c: {  	s13 =	simm.s32 $0x80;
	s15 =	simm.s32 $0x1880;
	[tilespmem:s14+$0x18F0] =	vst v1  }
0x1d: {  	[tilespmem:s10], [sflag:$0x1] =	stream.indirect.gather [hbm4b:s1+s8], $0x10, s15, s8, $0xb8;
	[tilespmem:$0x1EA00] =	vst v63  }
0x1e: {  	v2 =	vld [tilespmem:s13+$0x0]  }
0x1f: {  	v4 =	vld [tilespmem:s13+$0x10]  }
0x20: {  	v5 =	vld [tilespmem:s13+$0x20]  }
0x21: {  	v3 =	vld [tilespmem:s13+$0x30]  }
0x22: {  	v1 =	vld [tilespmem:s13+$0x40]  }
0x23: {  	v6 =	vshrl.u32 v2, $0x3;
	v2 =	vld [tilespmem:s13+$0x50]  }
0x24: {  	s14 =	simm.s32 $0x3100;
	s15 =	simm.s32 $0x400;
	[tilespmem:s13+$0x1880] =	vst v6;
	v6 =	vshrl.u32 v4, $0x3;
	v4 =	vld [tilespmem:s13+$0x60]  }
.LBB2_2:
0x25: {  	p0 =	sne.s32 s15, $0x6000;
	[tilespmem:s13+$0x1890] =	vst v6;
	v5 =	vshrl.u32 v5, $0x3;
	v6 =	vld [tilespmem:s13+$0x70]  }
0x26: {  	[tilespmem:s13+$0x18A0] =	vst v5;
	v3 =	vshrl.u32 v3, $0x3  }
0x27: {  	[tilespmem:s13+$0x18B0] =	vst v3;
	v1 =	vshrl.u32 v1, $0x3  }
0x28: {  	[tilespmem:s13+$0x18C0] =	vst v1;
	v1 =	vshrl.u32 v2, $0x3  }
0x29: {  	[tilespmem:s13+$0x18D0] =	vst v1;
	v1 =	vshrl.u32 v4, $0x3  }
0x2a: {  	s16 =	sshra.s32 s15, $0x2;
	s17 =	sadd.s32 $0x1880, s13;
	s14 =	sadd.s32 $0x800, s14;
	[tilespmem:s13+$0x18E0] =	vst v1;
	v1 =	vshrl.u32 v6, $0x3  }
0x2b: {  	[tilespmem:s13+$0x18F0] =	vst v1;
	[tilespmem:s14], [sflag:$0x1] =	stream.indirect.gather [hbm4b:s1+s8], $0x10, s17, s8, $0xb8  }
0x2c: {  	s13 =	smov.u32 s16;
	v2 =	vld [tilespmem:s16+$0x0]  }
0x2d: {  	v4 =	vld [tilespmem:s13+$0x10]  }
.Ltmp0:
0x2e: {  	v5 =	vld [tilespmem:s13+$0x20];
	(pc) =	sbr.rel @p0 .LBB2_2-.Ltmp0, $4  }
0x2f: {  	v3 =	vld [tilespmem:s13+$0x30]  }
0x30: {  	v1 =	vld [tilespmem:s13+$0x40]  }
0x31: {  	v6 =	vshrl.u32 v2, $0x3;
	v2 =	vld [tilespmem:s13+$0x50]  }
0x32: {  	s15 =	sadd.s32 $0x200, s15;
	[tilespmem:s13+$0x1880] =	vst v6;
	v6 =	vshrl.u32 v4, $0x3;
	v4 =	vld [tilespmem:s13+$0x60]  }
0x33: {  	[tilespmem:s13+$0x1890] =	vst v6;
	v5 =	vshrl.u32 v5, $0x3;
	v63 =	vld [tilespmem:s13+$0x70]  }
0x34: {  	[tilespmem:s13+$0x18A0] =	vst v5;
	v3 =	vshrl.u32 v3, $0x3  }
0x35: {  	[tilespmem:s13+$0x18B0] =	vst v3;
	v1 =	vshrl.u32 v1, $0x3  }
0x36: {  	[tilespmem:s13+$0x18C0] =	vst v1;
	v1 =	vshrl.u32 v2, $0x3  }
0x37: {  	[tilespmem:s13+$0x18D0] =	vst v1;
	v1 =	vshrl.u32 v4, $0x3  }
0x38: {  	[tilespmem:s13+$0x18E0] =	vst v1;
	v1 =	vshrl.u32 v63, $0x3  }
0x39: {  	s15 =	sadd.s32 $0x1880, s13;
	s14 =	sadd.s32 $0x800, s14;
	[tilespmem:s13+$0x18F0] =	vst v1  }
0x3a: {  	[tilespmem:s14], [sflag:$0x1] =	stream.indirect.gather [hbm4b:s1+s8], $0x10, s15, s8, $0xb8;
	[tilespmem:$0x1EA00] =	vst v63  }
0x3b: {  	_ =	swait.ge [sflag:s9], $0x18800  }
0x3c: {  	[sflag:s9] =	ssyncset.done $0x0  }
0x3d: {  	s13 =	simm.s32 $0x70;
	s14 =	simm.s32 $0x40;
	[sflag:s9] =	ssyncadd.s32 $0xFFFE7800  }
.LBB2_4:
0x3e: {  	v1 =	vld [tilespmem:s14+$0xFFFFFFC0];
	_ =	sdelay $0x3  }
0x3f: {  	s15 =	sadd.s32 $0xFFFFFF90, s13  }
0x40: {  	v2 =	vor.u32 s15, v0;
	v1 =	vshll.u32 v1, $0x1  }
0x41: {  	v3 =	vshll.u32 v2, $0x4;
	v1 =	vand.u32 $0xE, v1  }
0x42: {  	v1 =	vor.u32 v3, v1  }
0x43: {  	v3 =	vor.u32 $0x1, v1;
	_ =	sdelay $0x3  }
0x44: {  	v2 =	vshll.u32 v2, $0x1;
	v1 =	vld.idx.msk [tilespmem:v1+s10+$0x0], $0xffff  }
0x45: {  	v4 =	vor.u32 $0x1, v2;
	v3 =	vld.idx.msk [tilespmem:v3+s10+$0x0], $0xffff;
	_ =	sdelay $0x3  }
0x46: {  	[tilespmem:v2+s11+$0x0] =	vst.idx.msk $0xffff, v1  }
0x47: {  	[tilespmem:v4+s11+$0x0] =	vst.idx.msk $0xffff, v3  }
0x48: {  	v1 =	vld [tilespmem:s14+$0xFFFFFFD0];
	_ =	sdelay $0x3  }
0x49: {  	s25 =	sadd.s32 $0xFFFFFFA0, s13  }
0x4a: {  	v2 =	vor.u32 s25, v0;
	v1 =	vshll.u32 v1, $0x1  }
0x4b: {  	v3 =	vshll.u32 v2, $0x4;
	v1 =	vand.u32 $0xE, v1  }
0x4c: {  	v1 =	vor.u32 v3, v1  }
0x4d: {  	v3 =	vor.u32 $0x1, v1;
	_ =	sdelay $0x3  }
0x4e: {  	v2 =	vshll.u32 v2, $0x1;
	v1 =	vld.idx.msk [tilespmem:v1+s10+$0x0], $0xffff  }
0x4f: {  	v57 =	vor.u32 $0x1, v2;
	v3 =	vld.idx.msk [tilespmem:v3+s10+$0x0], $0xffff;
	_ =	sdelay $0x3  }
0x50: {  	[tilespmem:v2+s11+$0x0] =	vst.idx.msk $0xffff, v1  }
0x51: {  	[tilespmem:v57+s11+$0x0] =	vst.idx.msk $0xffff, v3  }
0x52: {  	v1 =	vld [tilespmem:s14+$0xFFFFFFE0];
	_ =	sdelay $0x3  }
0x53: {  	s26 =	sadd.s32 $0xFFFFFFB0, s13  }
0x54: {  	v2 =	vor.u32 s26, v0;
	v1 =	vshll.u32 v1, $0x1  }
0x55: {  	v3 =	vshll.u32 v2, $0x4;
	v1 =	vand.u32 $0xE, v1  }
0x56: {  	v1 =	vor.u32 v3, v1  }
0x57: {  	v3 =	vor.u32 $0x1, v1;
	_ =	sdelay $0x3  }
0x58: {  	v2 =	vshll.u32 v2, $0x1;
	v1 =	vld.idx.msk [tilespmem:v1+s10+$0x0], $0xffff  }
0x59: {  	v58 =	vor.u32 $0x1, v2;
	v3 =	vld.idx.msk [tilespmem:v3+s10+$0x0], $0xffff;
	_ =	sdelay $0x3  }
0x5a: {  	[tilespmem:v2+s11+$0x0] =	vst.idx.msk $0xffff, v1  }
0x5b: {  	[tilespmem:v58+s11+$0x0] =	vst.idx.msk $0xffff, v3  }
0x5c: {  	v1 =	vld [tilespmem:s14+$0xFFFFFFF0];
	_ =	sdelay $0x3  }
0x5d: {  	s28 =	sadd.s32 $0xFFFFFFC0, s13  }
0x5e: {  	v2 =	vor.u32 s28, v0;
	v1 =	vshll.u32 v1, $0x1  }
0x5f: {  	v3 =	vshll.u32 v2, $0x4;
	v1 =	vand.u32 $0xE, v1  }
0x60: {  	v1 =	vor.u32 v3, v1  }
0x61: {  	v3 =	vor.u32 $0x1, v1;
	_ =	sdelay $0x3  }
0x62: {  	v2 =	vshll.u32 v2, $0x1;
	v1 =	vld.idx.msk [tilespmem:v1+s10+$0x0], $0xffff  }
0x63: {  	v59 =	vor.u32 $0x1, v2;
	v3 =	vld.idx.msk [tilespmem:v3+s10+$0x0], $0xffff;
	_ =	sdelay $0x3  }
0x64: {  	[tilespmem:v2+s11+$0x0] =	vst.idx.msk $0xffff, v1  }
0x65: {  	[tilespmem:v59+s11+$0x0] =	vst.idx.msk $0xffff, v3  }
0x66: {  	v1 =	vld [tilespmem:s14+$0x0];
	_ =	sdelay $0x3  }
0x67: {  	s29 =	sadd.s32 $0xFFFFFFD0, s13  }
0x68: {  	v2 =	vor.u32 s29, v0;
	v1 =	vshll.u32 v1, $0x1  }
0x69: {  	v3 =	vshll.u32 v2, $0x4;
	v1 =	vand.u32 $0xE, v1  }
0x6a: {  	v1 =	vor.u32 v3, v1  }
0x6b: {  	v3 =	vor.u32 $0x1, v1;
	_ =	sdelay $0x3  }
0x6c: {  	v2 =	vshll.u32 v2, $0x1;
	v1 =	vld.idx.msk [tilespmem:v1+s10+$0x0], $0xffff  }
0x6d: {  	v60 =	vor.u32 $0x1, v2;
	v3 =	vld.idx.msk [tilespmem:v3+s10+$0x0], $0xffff;
	_ =	sdelay $0x3  }
0x6e: {  	[tilespmem:v2+s11+$0x0] =	vst.idx.msk $0xffff, v1  }
0x6f: {  	[tilespmem:v60+s11+$0x0] =	vst.idx.msk $0xffff, v3  }
0x70: {  	v1 =	vld [tilespmem:s14+$0x10];
	_ =	sdelay $0x3  }
0x71: {  	s30 =	sadd.s32 $0xFFFFFFE0, s13  }
0x72: {  	v2 =	vor.u32 s30, v0;
	v1 =	vshll.u32 v1, $0x1  }
0x73: {  	v3 =	vshll.u32 v2, $0x4;
	v1 =	vand.u32 $0xE, v1  }
0x74: {  	v1 =	vor.u32 v3, v1  }
0x75: {  	v3 =	vor.u32 $0x1, v1;
	_ =	sdelay $0x3  }
0x76: {  	v2 =	vshll.u32 v2, $0x1;
	v1 =	vld.idx.msk [tilespmem:v1+s10+$0x0], $0xffff  }
0x77: {  	v61 =	vor.u32 $0x1, v2;
	v3 =	vld.idx.msk [tilespmem:v3+s10+$0x0], $0xffff;
	_ =	sdelay $0x3  }
0x78: {  	[tilespmem:v2+s11+$0x0] =	vst.idx.msk $0xffff, v1  }
0x79: {  	[tilespmem:v61+s11+$0x0] =	vst.idx.msk $0xffff, v3  }
0x7a: {  	v1 =	vld [tilespmem:s14+$0x20];
	_ =	sdelay $0x3  }
0x7b: {  	s31 =	sadd.s32 $0xFFFFFFF0, s13  }
0x7c: {  	v2 =	vor.u32 s31, v0;
	v1 =	vshll.u32 v1, $0x1  }
0x7d: {  	v3 =	vshll.u32 v2, $0x4;
	v1 =	vand.u32 $0xE, v1  }
0x7e: {  	v1 =	vor.u32 v3, v1  }
0x7f: {  	v3 =	vor.u32 $0x1, v1;
	_ =	sdelay $0x3  }
0x80: {  	v2 =	vshll.u32 v2, $0x1;
	v1 =	vld.idx.msk [tilespmem:v1+s10+$0x0], $0xffff  }
0x81: {  	v62 =	vor.u32 $0x1, v2;
	v3 =	vld.idx.msk [tilespmem:v3+s10+$0x0], $0xffff;
	_ =	sdelay $0x3  }
0x82: {  	[tilespmem:v2+s11+$0x0] =	vst.idx.msk $0xffff, v1  }
0x83: {  	[tilespmem:v62+s11+$0x0] =	vst.idx.msk $0xffff, v3  }
0x84: {  	v1 =	vld [tilespmem:s14+$0x30];
	_ =	sdelay $0x4  }
0x85: {  	v2 =	vor.u32 s13, v0;
	v1 =	vshll.u32 v1, $0x1  }
0x86: {  	v3 =	vshll.u32 v2, $0x4;
	v1 =	vand.u32 $0xE, v1  }
0x87: {  	v1 =	vor.u32 v3, v1  }
0x88: {  	v3 =	vor.u32 $0x1, v1;
	_ =	sdelay $0x3  }
0x89: {  	v2 =	vshll.u32 v2, $0x1;
	v1 =	vld.idx.msk [tilespmem:v1+s10+$0x0], $0xffff  }
0x8a: {  	p0 =	sne.s32 s13, $0x1870;
	v63 =	vor.u32 $0x1, v2;
	v3 =	vld.idx.msk [tilespmem:v3+s10+$0x0], $0xffff  }
.Ltmp1:
0x8b: {  	_ = 	snop;
	(pc) =	sbr.rel @p0 .LBB2_4-.Ltmp1, $3  }
0x8c: {  	_ =	sdelay $0x1  }
0x8d: {  	[tilespmem:v2+s11+$0x0] =	vst.idx.msk $0xffff, v1  }
0x8e: {  	s13 =	sadd.s32 $0x80, s13;
	s14 =	sadd.s32 $0x80, s14;
	[tilespmem:v63+s11+$0x0] =	vst.idx.msk $0xffff, v3  }
0x8f: {  	s12 =	sadd.s32 $0x1, s12  }
0x90: {  	p0 =	sne.s32 s12, s6  }
.Ltmp2:
0x91: {  	_ = 	snop;
	(pc) =	sbr.rel @p0 .LBB2_1-.Ltmp2, $4  }
0x92: {  	[hbm4b:s5+s3] =	stream.linear.scatter [tilespmem:s11], [sflag:$0x2], $0x3100, $0x38;
	[tilespmem:$0x1EA00] =	vst v63  }
0x93: {  	_ =	swait.ge [sflag:s7], $0x3100  }
0x94: {  	[sflag:s7] =	ssyncset.done $0x0  }
0x95: {  	[sflag:s7] =	ssyncadd.s32 $0xFFFFCF00  }
0x96: {  	_ =	sfence.sel $0x180000  }
0x97: {  	[bflag:$0x0] =	sbarrier.arrive $0xFFFF  }
0x98: {  	p0 =	sne.s32 s0, $0x0;
	_ =	strace $0x90000047  }
0x99: {  	s0 =	sadd.s32 @!p0 $0x100000, s2;
	[bflag:$0x2] =	sbarrier.arrive $0xFFFF  }
0x9a: {  	[sflag:s0] =	ssyncadd.tile.s32 @!p0 $0x1;
	_ =	shalt  }
.Lfunc_end2:
_tile_overlayer_lowered:
.L_overlay_start_2:
0x9b: {  	(tag) =	ssettag $0x2  }
0x9c: {  	s0 =	rddreg [dreg:$0x0];
	s2 =	stileid.u32  }
0x9d: {  	s1 =	rddreg [dreg:$0x1];
	p0 =	sne.s32 s2, $0x0  }
0x9e: {  	s3 =	rddreg [dreg:$0x2];
	[bflag:$0x3] =	sbarrier.arrive $0xFFFF;
	s2 =	simm.s32 @!p0 $0x1C02  }
0x9f: {  	[timem:s3], [sflag:s2] =	dma.local @!p0 [hbm:s0], s1  }
0xa0: {  	s0 =	simm.s32 @!p0 $0x2  }
0xa1: {  	_ =	swait.ge @!p0 [sflag:s0], s1  }
0xa2: {  	s1 =	ssub.s32 @!p0 $0x0, s1;
	[sflag:s0] =	ssyncset.done @!p0 $0x0  }
0xa3: {  	[sflag:s0] =	ssyncadd.s32 @!p0 s1  }
0xa4: {  	[bflag:$0x3] =	sbarrier.arrive $0xFFFF  }
0xa5: {  	_ =	shalt  }

// kernel: kernel.7.cloned.1.call-start
scs
__scs_entry_jumppad:
0x0: {  	(pc) =	sbr.rel $0x88, $3  }
0x1: {  	(tag) =	ssettag $0x0;
	lr =	simm.s32 $0x1  }
0x2: {  	[smem:$0x3F9F] =	sst lr;
	_ =	strace $0xD0000000  }
0x3: {  	_ = 	snop  }
0x4: {  	_ = 	snop  }
0x5: {  	_ = 	snop  }
0x6: {  	_ = 	snop  }
0x7: {  	_ = 	snop  }
__scs_overlays_trampoline_lowered:
0x8: {  	[smem:$0x3FAE] =	sst s0  }
0x9: {  	[smem:$0x3FAF] =	sst s1  }
0xa: {  	[smem:$0x3FB0] =	sst s2  }
0xb: {  	[smem:$0x3FB1] =	sst s3  }
0xc: {  	[smem:$0x3FB2] =	sst s4  }
0xd: {  	[smem:$0x3FB3] =	sst s5  }
0xe: {  	[smem:$0x3FB4] =	sst s6  }
0xf: {  	[smem:$0x3FB5] =	sst s7  }
0x10: {  	[smem:$0x3FB6] =	sst s8  }
0x11: {  	[smem:$0x3FB7] =	sst s9;
	s0 =	simm.s32 @!p0 $0x0  }
0x12: {  	s1 =	sld [smem:$0x3F9D];
	s0 =	simm.s32 @p0 $0x1  }
0x13: {  	[smem:$0x3FB8] =	sst s0;
	s0 =	simm.s32 @!p1 $0x0  }
0x14: {  	s2 =	sld [smem:$0x3F9C];
	s0 =	simm.s32 @p1 $0x1  }
0x15: {  	[smem:$0x3FB9] =	sst s0;
	s0 =	simm.s32 @!p2 $0x0  }
0x16: {  	s3 =	sld [smem:$0x3FDB];
	s0 =	simm.s32 @p2 $0x1  }
0x17: {  	s4 =	simm.s32 $0x1BF5;
	[smem:$0x3FBB] =	sst s0  }
0x18: {  	s0 =	sld [smem:$0x3F9E];
	_ =	swait.ge [sflag:s4], $0x0  }
0x19: {  	s7 =	sld [smem:$0x3F9F]  }
0x1a: {  	s8 =	sadd.s32 $0xFFFFE003, lr  }
0x1b: {  	s9 =	sadd.s32 $0xFFFFFEF7, lr;
	s5 =	simm.s32 $0xFFFFFFFF;
	p2 =	slt.u32 s8, $0xFFFFF086  }
0x1c: {  	p1 =	slt.u32 s9, $0xF7A;
	s5 =	simm.s32 @!p2 $0x0  }
0x1d: {  	s5 =	simm.s32 @p1 $0x1;
	p0 =	seq.s32 s7, s2  }
0x1e: {  	s7 =	smul.u32 @!p0 $0xF7A, s2;
	p2 =	seq.s32 @!p0 s5, $0x0  }
0x1f: {  	s9 =	smul.u32 $0xF7A, s1;
	s8 =	simm.s32 @!p0 $0x1BF5;
	p2 =	por !p2, p0  }
0x20: {  	[sflag:s8] =	ssyncset.s32 @!p0 $0xFFFFF086;
	s6 =	sadd.s32 @!p0 s3, s7;
	s7 =	simm.s32 @!p0 $0x108  }
0x21: {  	s3 =	sadd.s32 s3, s9;
	s6 =	sadd.s32 @!p0 $0x88, s6;
	s7 =	simm.s32 @p2 $0x1082  }
0x22: {  	[simem:s7], [sflag:s8] =	dma.local @!p0 [hbm:s6], $0xF7A  }
0x23: {  	s9 =	sor.u32 $0xD0000000, s2;
	s6 =	simm.s32 $0x108;
	_ =	swait.ge @!p0 [sflag:s8], $0x0  }
0x24: {  	s3 =	sadd.s32 $0x88, s3;
	s6 =	simm.s32 @!p1 $0x1082;
	[sflag:s4] =	ssyncset.s32 $0xFFFFF086  }
0x25: {  	[simem:s6], [sflag:s4] =	dma.local [hbm:s3], $0xF7A  }
0x26: {  	[smem:$0x3F9F] =	sst s1;
	(tag) =	ssettag s2;
	_ =	strace s9  }
0x27: {  	s1 =	sld [smem:$0x3FAF]  }
0x28: {  	s2 =	sld [smem:$0x3FB0]  }
0x29: {  	s4 =	sld [smem:$0x3FB2]  }
0x2a: {  	p0 =	seq.s32 s5, $0x0;
	s5 =	sld [smem:$0x3FB3]  }
0x2b: {  	s6 =	sld [smem:$0x3FB4]  }
0x2c: {  	s7 =	sld [smem:$0x3FB5]  }
0x2d: {  	s3 =	simm.s32 $0x108;
	s8 =	sld [smem:$0x3FB6]  }
0x2e: {  	s3 =	simm.s32 @!p0 $0x1082;
	s9 =	sld [smem:$0x3FB7]  }
0x2f: {  	lr =	sadd.s32 s0, s3;
	s0 =	sld [smem:$0x3FAE]  }
0x30: {  	s3 =	sld [smem:$0x3FB1]  }
0x31: {  	[smem:$0x3FBA] =	sst s10  }
0x32: {  	s10 =	sld [smem:$0x3FB8];
	_ =	sdelay $0x3  }
0x33: {  	p0 =	seq.s32 s10, $0x1;
	s10 =	sld [smem:$0x3FBA];
	_ =	sdelay $0x3  }
0x34: {  	[smem:$0x3FBA] =	sst s10  }
0x35: {  	s10 =	sld [smem:$0x3FB9];
	_ =	sdelay $0x3  }
0x36: {  	p1 =	seq.s32 s10, $0x1;
	s10 =	sld [smem:$0x3FBA];
	_ =	sdelay $0x3  }
0x37: {  	[smem:$0x3FBA] =	sst s10  }
0x38: {  	s10 =	sld [smem:$0x3FBB]  }
0x39: {  	_ = 	snop;
	(pc) =	sbr.ind lr, $3  }
0x3a: {  	_ = 	snop  }
0x3b: {  	_ = 	snop  }
0x3c: {  	p2 =	seq.s32 s10, $0x1;
	s10 =	sld [smem:$0x3FBA]  }
0x3d: {  	_ =	shalt  }
0x3e: {  	_ =	shalt  }
0x3f: {  	_ =	shalt  }
0x40: {  	_ =	shalt  }
0x41: {  	_ =	shalt  }
0x42: {  	_ =	shalt  }
0x43: {  	_ =	shalt  }
0x44: {  	_ =	shalt  }
0x45: {  	_ =	shalt  }
0x46: {  	_ =	shalt  }
0x47: {  	_ =	shalt  }
0x48: {  	_ =	shalt  }
0x49: {  	_ =	shalt  }
0x4a: {  	_ =	shalt  }
0x4b: {  	_ =	shalt  }
0x4c: {  	_ =	shalt  }
0x4d: {  	_ =	shalt  }
0x4e: {  	_ =	shalt  }
0x4f: {  	_ =	shalt  }
0x50: {  	_ =	shalt  }
0x51: {  	_ =	shalt  }
0x52: {  	_ =	shalt  }
0x53: {  	_ =	shalt  }
0x54: {  	_ =	shalt  }
0x55: {  	_ =	shalt  }
0x56: {  	_ =	shalt  }
0x57: {  	_ =	shalt  }
0x58: {  	_ =	shalt  }
0x59: {  	_ =	shalt  }
0x5a: {  	_ =	shalt  }
0x5b: {  	_ =	shalt  }
0x5c: {  	_ =	shalt  }
0x5d: {  	_ =	shalt  }
0x5e: {  	_ =	shalt  }
0x5f: {  	_ =	shalt  }
0x60: {  	_ =	shalt  }
0x61: {  	_ =	shalt  }
0x62: {  	_ =	shalt  }
0x63: {  	_ =	shalt  }
0x64: {  	_ =	shalt  }
0x65: {  	_ =	shalt  }
0x66: {  	_ =	shalt  }
0x67: {  	_ =	shalt  }
0x68: {  	_ =	shalt  }
0x69: {  	_ =	shalt  }
0x6a: {  	_ =	shalt  }
0x6b: {  	_ =	shalt  }
0x6c: {  	_ =	shalt  }
0x6d: {  	_ =	shalt  }
0x6e: {  	_ =	shalt  }
0x6f: {  	_ =	shalt  }
0x70: {  	_ =	shalt  }
0x71: {  	_ =	shalt  }
0x72: {  	_ =	shalt  }
0x73: {  	_ =	shalt  }
0x74: {  	_ =	shalt  }
0x75: {  	_ =	shalt  }
0x76: {  	_ =	shalt  }
0x77: {  	_ =	shalt  }
0x78: {  	_ =	shalt  }
0x79: {  	_ =	shalt  }
0x7a: {  	_ =	shalt  }
0x7b: {  	_ =	shalt  }
0x7c: {  	_ =	shalt  }
0x7d: {  	_ =	shalt  }
0x7e: {  	_ =	shalt  }
0x7f: {  	_ =	shalt  }
0x80: {  	_ =	shalt  }
0x81: {  	_ =	shalt  }
0x82: {  	_ =	shalt  }
0x83: {  	_ =	shalt  }
0x84: {  	_ =	shalt  }
0x85: {  	_ =	shalt  }
0x86: {  	_ =	shalt  }
0x87: {  	_ =	shalt  }
.Lfunc_end0:
.L_simem_size_0:
called_computation.1_lowered:
.L_overlay_start_0:
0x88: {  	s2 =	sld [smem:$0x3FD9]  }
0x89: {  	s3 =	sld [smem:$0x3FFE];
	_ =	sdelay $0x1  }
0x8a: {  	s1 =	srdreg.scid  }
0x8b: {  	s0 =	sand.u32 $0x1, s1  }
0x8c: {  	s16 =	sshll.u32 s0, $0xA;
	s2 =	sadd.s32 s3, s2  }
0x8d: {  	s2 =	sadd.s32 s2, s16  }
0x8e: {  	[smem:$0x3FC6] =	sst s2  }
0x8f: {  	_ = 	snop  }
0x90: {  	(tm) =	ssettm $0x1  }
0x91: {  	s17 =	sld [smem:$0x3FFB];
	_ =	sdelay $0x3  }
0x92: {  	_ =	strace s17  }
0x93: {  	s2 =	sld [smem:$0x3FFC];
	_ =	sdelay $0x3  }
0x94: {  	_ =	strace s2  }
0x95: {  	s2 =	sld [smem:$0x3FFD];
	_ =	sdelay $0x3  }
0x96: {  	_ =	strace s2  }
0x97: {  	_ =	strace $0x8FFFFFFF  }
0x98: {  	s18 =	sld [smem:$0x3FDB];
	_ =	sdelay $0x1  }
0x99: {  	s19 =	simm.s32 $_scs_section_size  }
0x9a: {  	s4 =	simm.s32 $_size__tile_overlayer_lowered;
	s5 =	simm.s32 $_tile_overlayer_lowered  }
0x9b: {  	s22 =	simm.s32 $0x1BFF;
	s21 =	sshll.u32 s5, $0x1;
	s2 =	sadd.s32 s19, s18  }
0x9c: {  	s6 =	simm.s32 $0x0;
	s20 =	sshll.u32 s4, $0x1;
	s4 =	sadd.s32 s21, s2  }
0x9d: {  	[timem:s6], [sflag:s22] =	dma.local [hbm:s4], s20  }
0x9e: {  	_ =	swait.ge [sflag:s22], s20  }
0x9f: {  	s3 =	ssub.s32 $0x0, s20;
	[sflag:s22] =	ssyncset.done $0x0  }
0xa0: {  	[sflag:s22] =	ssyncadd.s32 s3;
	_ =	sdelay $0x1  }
0xa1: {  	s23 =	simm.s32 $0x1B8B  }
0xa2: {  	_ =	swait.ge [sflag:s23], $0x1  }
0xa3: {  	[sflag:s23] =	ssyncset.done $0x0  }
0xa4: {  	s25 =	simm.s32 $0x1B8E;
	s24 =	sld [smem:$0x3FFE];
	[sflag:s23] =	ssyncadd.s32 $0xFFFFFFFF  }
0xa5: {  	s26 =	simm.s32 $execute0_lowered;
	[smem:$0x3FD2] =	sst s25  }
0xa6: {  	s4 =	sshll.u32 s26, $0x1;
	_ =	strace $0x80000049;
	[dreg:$0x1] =	wrdreg $0xFFFFFFFF  }
0xa7: {  	s28 =	simm.s32 $_size_execute0_lowered;
	s2 =	sadd.s32 s2, s4;
	[dreg:$0x0] =	wrdreg $0x0  }
0xa8: {  	s4 =	sshll.u32 s28, $0x1;
	[dreg:$0x2] =	wrdreg s2  }
0xa9: {  	[dreg:$0x3] =	wrdreg s4  }
0xaa: {  	[dreg:$0x4] =	wrdreg $0xC0  }
0xab: {  	_ =	task [dreg:s6], $0x5FFFF  }
0xac: {  	[dreg:$0x1] =	wrdreg $0xFFFFFFFF  }
0xad: {  	[dreg:$0x0] =	wrdreg $0x60  }
0xae: {  	[dreg:$0x2] =	wrdreg s24  }
0xaf: {  	[dreg:$0x3] =	wrdreg $0x9  }
0xb0: {  	_ =	task.clear_ibuf [dreg:s6], $0x4FFFF;
	_ =	strace $0x90000049  }
0xb1: {  	s29 =	simm.s32 $0x9;
	_ =	strace $0x8000004B  }
0xb2: {  	_ =	swait.ge [sflag:s29], $0x1  }
0xb3: {  	[sflag:s29] =	ssyncadd.s32 $0xFFFFFFFF  }
0xb4: {  	_ =	strace $0x9000004B  }
0xb5: {  	_ =	sfence  }
0xb6: {  	s30 =	sld [smem:$0x0];
	_ =	sdelay $0x2  }
0xb7: {  	s31 =	sshll.u32 s1, $0xD;
	s1 =	sshrl.u32 s1, $0x2  }
0xb8: {  	s3 =	sand.u32 $0x4000, s31;
	s1 =	sadd.s32 s1, s30  }
0xb9: {  	s0 =	sor.u32 s3, s0;
	s1 =	sshll.u32 s1, $0x11  }
0xba: {  	s0 =	sor.u32 s1, s0  }
0xbb: {  	s0 =	sadd.s32 $0x8F2B, s0  }
0xbc: {  	[sflag:s0] =	ssyncadd.remote.s32 $0x1  }
0xbd: {  	_ =	sfence.sel $0xFFFF  }
0xbe: {  	[dreg:$0x0] =	wrdreg $0xFFFFFFFF;
	(pc) =	sbr.abs _section_cstart, $3  }
0xbf: {  	[dreg:$0x1] =	wrdreg $0xFFFFFFFF  }
0xc0: {  	_ =	task.clear_ibuf [dreg:s6], $0x2FFFF;
	_ =	strace $0x9FFFFFFF  }
0xc1: {  	(tm) =	ssettm $0x7FFFFFFF  }
tec
execute0_lowered:
.L_overlay_start_1:
0x0: {  	(tag) =	ssettag $0x1  }
0x1: {  	v0 =	vimm.s32 $0x81800100;
	v1 =	vimm.s32 $0x781  }
0x2: {  	vm14 =	vcmask $0x300;
	vm11 =	vcmask $0x704;
	vm12 =	vcmask $0xB08  }
0x3: {  	vm0 =	vcmask $0xF00;
	vm13 =	vcmask $0xF0C;
	vm10 =	vcmask $0x1310  }
0x4: {  	vm9 =	vcmask $0x1714;
	vm8 =	vcmask $0x1B18;
	vm7 =	vcmask $0x1F1C  }
0x5: {  	vm6 =	vcmask $0x2320;
	vm5 =	vcmask $0x2724;
	vm4 =	vcmask $0x2B28  }
0x6: {  	vm3 =	vcmask $0x2F2C;
	vm2 =	vcmask $0x3330;
	vm1 =	vcmask $0x3734  }
0x7: {  	vm15 =	vcmask $0x3B38;
	v2 =	vimm.s32 $0xB81;
	v3 =	vimm.s32 $0xF81  }
0x8: {  	v4 =	vimm.s32 $0x1381;
	v5 =	vimm.s32 $0x1781;
	v6 =	vimm.s32 $0x1B81  }
0x9: {  	v7 =	vimm.s32 $0x1F81;
	v0 =	vunpack.c.0.s8.s32 v0;
	v1 =	vsel vm14, $0x400, v1  }
0xa: {  	v2 =	vsel vm14, $0x800, v2;
	v3 =	vsel vm14, $0xC00, v3;
	v4 =	vsel vm14, $0x1000, v4  }
0xb: {  	v5 =	vsel vm14, $0x1400, v5;
	v6 =	vsel vm14, $0x1800, v6;
	v7 =	vsel vm14, $0x1C00, v7  }
0xc: {  	v1 =	vsel vm11, $0x401, v1;
	v2 =	vsel vm11, $0x801, v2;
	v3 =	vsel vm11, $0xC01, v3  }
0xd: {  	v4 =	vsel vm11, $0x1001, v4;
	v5 =	vsel vm11, $0x1401, v5;
	v6 =	vsel vm11, $0x1801, v6  }
0xe: {  	v7 =	vsel vm11, $0x1C01, v7;
	v0 =	vand.u32 $0xFF, v0;
	v1 =	vsel vm12, $0x480, v1  }
0xf: {  	v2 =	vsel vm12, $0x880, v2;
	v3 =	vsel vm12, $0xC80, v3;
	v4 =	vsel vm12, $0x1080, v4  }
0x10: {  	v5 =	vsel vm12, $0x1480, v5;
	v6 =	vsel vm12, $0x1880, v6;
	v7 =	vsel vm12, $0x1C80, v7  }
0x11: {  	v0 =	vnsel vm0, $0x381, v0;
	v1 =	vsel vm13, $0x481, v1;
	v2 =	vsel vm13, $0x881, v2  }
0x12: {  	v3 =	vsel vm13, $0xC81, v3;
	v4 =	vsel vm13, $0x1081, v4;
	v5 =	vsel vm13, $0x1481, v5  }
0x13: {  	v6 =	vsel vm13, $0x1881, v6;
	v7 =	vsel vm13, $0x1C81, v7;
	v0 =	vsel vm10, $0x100, v0  }
0x14: {  	v1 =	vsel vm10, $0x500, v1;
	v2 =	vsel vm10, $0x900, v2;
	v3 =	vsel vm10, $0xD00, v3  }
0x15: {  	v4 =	vsel vm10, $0x1100, v4;
	v5 =	vsel vm10, $0x1500, v5;
	v6 =	vsel vm10, $0x1900, v6  }
0x16: {  	v7 =	vsel vm10, $0x1D00, v7;
	v0 =	vsel vm9, $0x101, v0;
	v1 =	vsel vm9, $0x501, v1  }
0x17: {  	v2 =	vsel vm9, $0x901, v2;
	v3 =	vsel vm9, $0xD01, v3;
	v4 =	vsel vm9, $0x1101, v4  }
0x18: {  	v5 =	vsel vm9, $0x1501, v5;
	v6 =	vsel vm9, $0x1901, v6;
	v7 =	vsel vm9, $0x1D01, v7  }
0x19: {  	v0 =	vsel vm8, $0x180, v0;
	v1 =	vsel vm8, $0x580, v1;
	v2 =	vsel vm8, $0x980, v2  }
0x1a: {  	v3 =	vsel vm8, $0xD80, v3;
	v4 =	vsel vm8, $0x1180, v4;
	v5 =	vsel vm8, $0x1580, v5  }
0x1b: {  	v6 =	vsel vm8, $0x1980, v6;
	v7 =	vsel vm8, $0x1D80, v7;
	v0 =	vsel vm7, $0x181, v0  }
0x1c: {  	v1 =	vsel vm7, $0x581, v1;
	v2 =	vsel vm7, $0x981, v2;
	v3 =	vsel vm7, $0xD81, v3  }
0x1d: {  	v4 =	vsel vm7, $0x1181, v4;
	v5 =	vsel vm7, $0x1581, v5;
	v6 =	vsel vm7, $0x1981, v6  }
0x1e: {  	v7 =	vsel vm7, $0x1D81, v7;
	v0 =	vsel vm6, $0x200, v0;
	v1 =	vsel vm6, $0x600, v1  }
0x1f: {  	v2 =	vsel vm6, $0xA00, v2;
	v3 =	vsel vm6, $0xE00, v3;
	v4 =	vsel vm6, $0x1200, v4  }
0x20: {  	v5 =	vsel vm6, $0x1600, v5;
	v6 =	vsel vm6, $0x1A00, v6;
	v7 =	vsel vm6, $0x1E00, v7  }
0x21: {  	v0 =	vsel vm5, $0x201, v0;
	v1 =	vsel vm5, $0x601, v1;
	v2 =	vsel vm5, $0xA01, v2  }
0x22: {  	v3 =	vsel vm5, $0xE01, v3;
	v4 =	vsel vm5, $0x1201, v4;
	v5 =	vsel vm5, $0x1601, v5  }
0x23: {  	v6 =	vsel vm5, $0x1A01, v6;
	v7 =	vsel vm5, $0x1E01, v7;
	v0 =	vsel vm4, $0x280, v0  }
0x24: {  	v1 =	vsel vm4, $0x680, v1;
	v2 =	vsel vm4, $0xA80, v2;
	v3 =	vsel vm4, $0xE80, v3  }
0x25: {  	v4 =	vsel vm4, $0x1280, v4;
	v5 =	vsel vm4, $0x1680, v5;
	v6 =	vsel vm4, $0x1A80, v6  }
0x26: {  	v7 =	vsel vm4, $0x1E80, v7;
	v0 =	vsel vm3, $0x281, v0;
	v1 =	vsel vm3, $0x681, v1  }
0x27: {  	v2 =	vsel vm3, $0xA81, v2;
	v3 =	vsel vm3, $0xE81, v3;
	v4 =	vsel vm3, $0x1281, v4  }
0x28: {  	s3 =	rddreg [dreg:$0x0];
	s2 =	srdreg.scid;
	v5 =	vsel vm3, $0x1681, v5;
	v6 =	vsel vm3, $0x1A81, v6;
	v7 =	vsel vm3, $0x1E81, v7  }
0x29: {  	s0 =	stileid.u32;
	s1 =	rddreg [dreg:$0x1];
	s8 =	simm.s32 $0x0;
	v0 =	vsel vm2, $0x300, v0;
	v1 =	vsel vm2, $0x700, v1;
	v2 =	vsel vm2, $0xB00, v2  }
0x2a: {  	s4 =	sand.u32 $0x1, s2;
	s5 =	smul.u32 $0x188000, s0;
	s6 =	sshll.u32 s0, $0x1;
	v3 =	vsel vm2, $0xF00, v3;
	v4 =	vsel vm2, $0x1300, v4;
	v5 =	vsel vm2, $0x1700, v5  }
0x2b: {  	s2 =	simm.s32 $0x0;
	s7 =	smul.u32 $0xC4000, s4;
	s6 =	sor.u32 s4, s6;
	v6 =	vsel vm2, $0x1B00, v6;
	v7 =	vsel vm2, $0x1F00, v7;
	v0 =	vsel vm1, $0x301, v0  }
0x2c: {  	[smem:$0x7FF] =	sst s2;
	s4 =	ssub.s32 $0x2, s4;
	s6 =	smul.u32 $0x680, s6;
	v1 =	vsel vm1, $0x701, v1;
	v2 =	vsel vm1, $0xB01, v2;
	v7 =	vsel vm1, $0x1F01, v7  }
0x2d: {  	_ =	strace $0x8000004A;
	s31 =	sshrl.u32 s4, $0x1;
	s5 =	sadd.s32 s7, s5;
	v3 =	vsel vm1, $0xF01, v3;
	v4 =	vsel vm1, $0x1301, v4;
	v7 =	vsel vm15, $0x1F80, v7  }
0x2e: {  	s4 =	ssub.s32 s4, s31;
	s7 =	simm.s32 $0x1;
	s5 =	sshrl.u32 s5, $0x3;
	v5 =	vsel vm1, $0x1701, v5;
	v6 =	vsel vm1, $0x1B01, v6;
	v0 =	vsel vm15, $0x380, v0  }
0x2f: {  	s6 =	sadd.s32 s6, s3;
	s4 =	smax.u32 s4, $0x1;
	s5 =	sadd.s32 s5, s3;
	v1 =	vsel vm15, $0x780, v1;
	v2 =	vsel vm15, $0xB80, v2;
	v3 =	vsel vm15, $0xF80, v3  }
0x30: {  	s3 =	sadd.s32 $0x800, s6;
	s6 =	simm.s32 $0x2;
	s5 =	sadd.s32 $0xD800, s5;
	v4 =	vsel vm15, $0x1380, v4;
	v5 =	vsel vm15, $0x1780, v5;
	v6 =	vsel vm15, $0x1B80, v6  }
.LBB2_1:
0x31: {  	[tilespmem:s2], [sflag:$0x2] =	stream.linear.gather [hbm4b:s3+s2], $0x3400, $0x38;
	[tilespmem:$0xB400] =	vst v63  }
0x32: {  	_ =	swait.ge [sflag:s6], $0x3400  }
0x33: {  	p0 =	por $0x1, $0x1;
	[sflag:s6] =	ssyncset.done $0x0  }
0x34: {  	s9 =	simm.s32 @!p0 $0x1;
	[sflag:s6] =	ssyncadd.s32 $0xFFFFCC00  }
0x35: {  	_ =	swait.ge @!p0 [sflag:s9], $0x2000  }
0x36: {  	[sflag:s9] =	ssyncset.done @!p0 $0x0  }
0x37: {  	s10 =	simm.s32 $0x40;
	[sflag:s9] =	ssyncadd.s32 @!p0 $0xFFFFE000  }
0x38: {  	v8 =	vld [tilespmem:s10+$0xFFFFFFC0];
	_ =	sdelay $0x3  }
0x39: {  	s13 =	sand.u32 $0x6000, s2  }
0x3a: {  	[tilespmem:v0+s13+$0x3400] =	vst.idx.msk $0xffff, v8  }
0x3b: {  	v8 =	vld [tilespmem:s10+$0xFFFFFFD0];
	_ =	sdelay $0x4  }
0x3c: {  	[tilespmem:v1+s13+$0x3400] =	vst.idx.msk $0xffff, v8  }
0x3d: {  	v8 =	vld [tilespmem:s10+$0xFFFFFFE0];
	_ =	sdelay $0x4  }
0x3e: {  	[tilespmem:v2+s13+$0x3400] =	vst.idx.msk $0xffff, v8  }
0x3f: {  	v8 =	vld [tilespmem:s10+$0xFFFFFFF0];
	_ =	sdelay $0x4  }
0x40: {  	[tilespmem:v3+s13+$0x3400] =	vst.idx.msk $0xffff, v8  }
0x41: {  	v8 =	vld [tilespmem:s10+$0x0];
	_ =	sdelay $0x4  }
0x42: {  	[tilespmem:v4+s13+$0x3400] =	vst.idx.msk $0xffff, v8  }
0x43: {  	v8 =	vld [tilespmem:s10+$0x10];
	_ =	sdelay $0x4  }
0x44: {  	[tilespmem:v5+s13+$0x3400] =	vst.idx.msk $0xffff, v8  }
0x45: {  	v8 =	vld [tilespmem:s10+$0x20];
	_ =	sdelay $0x4  }
0x46: {  	[tilespmem:v6+s13+$0x3400] =	vst.idx.msk $0xffff, v8  }
0x47: {  	v8 =	vld [tilespmem:s10+$0x30]  }
0x48: {  	s12 =	simm.s32 $0x2  }
0x49: {  	p1 =	por $0x1, $0x1;
	s11 =	simm.s32 $0x2000;
	s14 =	smov.u32 s5  }
0x4a: {  	s16 =	sadd.s32 $0x3400, s13;
	s9 =	simm.s32 $0xC0;
	s10 =	smov.u32 s5  }
.LBB2_2:
0x4b: {  	s17 =	simm.s32 @!p1 $0x1  }
0x4c: {  	[tilespmem:v7+s13+$0x3400] =	vst.idx.msk $0xffff, v8;
	s10 =	sadd.s32 $0x400, s10;
	s15 =	smov.u32 s12;
	s12 =	sadd.s32 $0x1, s12  }
0x4d: {  	[hbm4b:s14+s2] =	stream.linear.scatter [tilespmem:s16], [sflag:$0x1], $0x2000, $0x38;
	[tilespmem:$0xB400] =	vst v63  }
0x4e: {  	p0 =	sne.s32 s12, $0x62;
	s14 =	smov.u32 s10;
	_ =	swait.ge @!p1 [sflag:s17], $0x2000  }
0x4f: {  	[sflag:s17] =	ssyncset.done @!p1 $0x0  }
0x50: {  	[sflag:s17] =	ssyncadd.s32 @!p1 $0xFFFFE000  }
0x51: {  	v8 =	vld [tilespmem:s9+$0xFFFFFFC0];
	_ =	sdelay $0x3  }
0x52: {  	s13 =	sand.u32 $0x6000, s11  }
0x53: {  	[tilespmem:v0+s13+$0x3400] =	vst.idx.msk $0xffff, v8  }
0x54: {  	v8 =	vld [tilespmem:s9+$0xFFFFFFD0];
	_ =	sdelay $0x4  }
0x55: {  	[tilespmem:v1+s13+$0x3400] =	vst.idx.msk $0xffff, v8  }
0x56: {  	v8 =	vld [tilespmem:s9+$0xFFFFFFE0];
	_ =	sdelay $0x4  }
0x57: {  	[tilespmem:v2+s13+$0x3400] =	vst.idx.msk $0xffff, v8  }
0x58: {  	v8 =	vld [tilespmem:s9+$0xFFFFFFF0];
	_ =	sdelay $0x4  }
0x59: {  	[tilespmem:v3+s13+$0x3400] =	vst.idx.msk $0xffff, v8  }
0x5a: {  	v8 =	vld [tilespmem:s9+$0x0];
	_ =	sdelay $0x4  }
0x5b: {  	[tilespmem:v4+s13+$0x3400] =	vst.idx.msk $0xffff, v8  }
0x5c: {  	v8 =	vld [tilespmem:s9+$0x10];
	_ =	sdelay $0x4  }
0x5d: {  	[tilespmem:v5+s13+$0x3400] =	vst.idx.msk $0xffff, v8  }
0x5e: {  	v8 =	vld [tilespmem:s9+$0x20];
	_ =	sdelay $0x4  }
0x5f: {  	[tilespmem:v6+s13+$0x3400] =	vst.idx.msk $0xffff, v8  }
.Ltmp0:
0x60: {  	v8 =	vld [tilespmem:s9+$0x30];
	(pc) =	sbr.rel @p0 .LBB2_2-.Ltmp0, $3  }
0x61: {  	_ =	sdelay $0x1  }
0x62: {  	s9 =	sadd.s32 $0x80, s9  }
0x63: {  	s11 =	sadd.s32 $0x2000, s11;
	s16 =	sadd.s32 $0x3400, s13;
	p1 =	slt.u32 s15, $0x4  }
0x64: {  	_ =	sdelay $0x3  }
0x65: {  	s12 =	simm.s32 @!p1 $0x1;
	[tilespmem:v7+s13+$0x3400] =	vst.idx.msk $0xffff, v8  }
0x66: {  	[hbm4b:s14+s2] =	stream.linear.scatter [tilespmem:s16], [sflag:$0x1], $0x2000, $0x38;
	[tilespmem:$0xB400] =	vst v63  }
0x67: {  	_ =	swait.ge @!p1 [sflag:s12], $0x2000  }
0x68: {  	[sflag:s12] =	ssyncset.done @!p1 $0x0  }
0x69: {  	[sflag:s12] =	ssyncadd.s32 @!p1 $0xFFFFE000  }
0x6a: {  	v8 =	vld [tilespmem:s9+$0xFFFFFFC0];
	_ =	sdelay $0x3  }
0x6b: {  	s11 =	sand.u32 $0x6000, s11  }
0x6c: {  	[tilespmem:v0+s11+$0x3400] =	vst.idx.msk $0xffff, v8  }
0x6d: {  	v8 =	vld [tilespmem:s9+$0xFFFFFFD0];
	_ =	sdelay $0x4  }
0x6e: {  	[tilespmem:v1+s11+$0x3400] =	vst.idx.msk $0xffff, v8  }
0x6f: {  	v8 =	vld [tilespmem:s9+$0xFFFFFFE0];
	_ =	sdelay $0x4  }
0x70: {  	[tilespmem:v2+s11+$0x3400] =	vst.idx.msk $0xffff, v8  }
0x71: {  	v8 =	vld [tilespmem:s9+$0xFFFFFFF0];
	_ =	sdelay $0x4  }
0x72: {  	[tilespmem:v3+s11+$0x3400] =	vst.idx.msk $0xffff, v8  }
0x73: {  	v8 =	vld [tilespmem:s9+$0x0];
	_ =	sdelay $0x4  }
0x74: {  	[tilespmem:v4+s11+$0x3400] =	vst.idx.msk $0xffff, v8  }
0x75: {  	v8 =	vld [tilespmem:s9+$0x10];
	_ =	sdelay $0x4  }
0x76: {  	[tilespmem:v5+s11+$0x3400] =	vst.idx.msk $0xffff, v8  }
0x77: {  	v8 =	vld [tilespmem:s9+$0x20];
	_ =	sdelay $0x4  }
0x78: {  	[tilespmem:v6+s11+$0x3400] =	vst.idx.msk $0xffff, v8  }
0x79: {  	v8 =	vld [tilespmem:s9+$0x30];
	_ =	sdelay $0x4  }
0x7a: {  	s30 =	sadd.s32 $0x400, s10;
	s31 =	sadd.s32 $0x3400, s11;
	[tilespmem:v7+s11+$0x3400] =	vst.idx.msk $0xffff, v8  }
0x7b: {  	[hbm4b:s30+s2] =	stream.linear.scatter [tilespmem:s31], [sflag:$0x1], $0x2000, $0x38;
	[tilespmem:$0xB400] =	vst v63  }
0x7c: {  	_ =	swait.ge [sflag:s7], $0x2000  }
0x7d: {  	[sflag:s7] =	ssyncset.done $0x0  }
0x7e: {  	[sflag:s7] =	ssyncadd.s32 $0xFFFFE000  }
0x7f: {  	_ =	swait.ge [sflag:s7], $0x2000  }
0x80: {  	[sflag:s7] =	ssyncset.done $0x0  }
0x81: {  	s8 =	sadd.s32 $0x1, s8;
	[sflag:s7] =	ssyncadd.s32 $0xFFFFE000  }
0x82: {  	p0 =	sne.s32 s8, s4;
	_ =	swait.ge [sflag:s7], $0x2000  }
.Ltmp1:
0x83: {  	[sflag:s7] =	ssyncset.done $0x0;
	(pc) =	sbr.rel @p0 .LBB2_1-.Ltmp1, $4  }
0x84: {  	[sflag:s7] =	ssyncadd.s32 $0xFFFFE000  }
0x85: {  	_ =	swait.ge [sflag:s7], $0x2000  }
0x86: {  	[sflag:s7] =	ssyncset.done $0x0  }
0x87: {  	[sflag:s7] =	ssyncadd.s32 $0xFFFFE000  }
0x88: {  	_ =	sfence.sel $0x180000  }
0x89: {  	[bflag:$0x0] =	sbarrier.arrive $0xFFFF  }
0x8a: {  	p0 =	sne.s32 s0, $0x0;
	_ =	strace $0x9000004A  }
0x8b: {  	s0 =	sadd.s32 @!p0 $0x100000, s1;
	[bflag:$0x2] =	sbarrier.arrive $0xFFFF  }
0x8c: {  	[sflag:s0] =	ssyncadd.tile.s32 @!p0 $0x1;
	_ =	shalt  }
.Lfunc_end2:
_tile_overlayer_lowered:
.L_overlay_start_2:
0x8d: {  	(tag) =	ssettag $0x2  }
0x8e: {  	s0 =	rddreg [dreg:$0x0];
	s2 =	stileid.u32  }
0x8f: {  	s1 =	rddreg [dreg:$0x1];
	p0 =	sne.s32 s2, $0x0  }
0x90: {  	s3 =	rddreg [dreg:$0x2];
	[bflag:$0x3] =	sbarrier.arrive $0xFFFF;
	s2 =	simm.s32 @!p0 $0x1C02  }
0x91: {  	[timem:s3], [sflag:s2] =	dma.local @!p0 [hbm:s0], s1  }
0x92: {  	s0 =	simm.s32 @!p0 $0x2  }
0x93: {  	_ =	swait.ge @!p0 [sflag:s0], s1  }
0x94: {  	s1 =	ssub.s32 @!p0 $0x0, s1;
	[sflag:s0] =	ssyncset.done @!p0 $0x0  }
0x95: {  	[sflag:s0] =	ssyncadd.s32 @!p0 s1  }
0x96: {  	[bflag:$0x3] =	sbarrier.arrive $0xFFFF  }
0x97: {  	_ =	shalt  }

</sc_bundles>
